<compile_context>
chip_gen: v7x
topology: tpu7x:2x2x1
jax: 0.10.2.dev20260603
libtpu: 0.0.44.dev20260713+nightly
codegen_flags: <defaults>
</compile_context>

<pallas_src>
import functools

import jax
import jax.numpy as jnp
from jax import lax
from jax.experimental import pallas as pl
from jax.experimental.pallas import tpu as pltpu
from jax.experimental.pallas import tpu_sc as plsc

N_DST = 10000
N_EDGES = 320000
D = 128

NC = 2
NS = 16
NW = NC * NS

EW = N_EDGES // NW
C = 80
K = EW // C

SPT = 624
REM = N_DST - NS * SPT

NB = 4
S = 1
G = NB - S


def _sc_partials(src_emb, dst_ids, zeros):
  mesh = plsc.VectorSubcoreMesh(core_axis_name="c", subcore_axis_name="s")

  @functools.partial(
      pl.kernel,
      mesh=mesh,
      out_type=jax.ShapeDtypeStruct((NC, N_DST, D), jnp.float32),
      scratch_types=[
          pltpu.VMEM((EW,), jnp.int32),
          pltpu.VMEM((NB, C, D), jnp.float32),
          pltpu.VMEM_SHARED((N_DST, D), jnp.float32),
          [pltpu.SemaphoreType.DMA] * NB,
          [pltpu.SemaphoreType.DMA] * NB,
          pltpu.SemaphoreType.DMA,
      ],
  )
  def body(src_hbm, idx_hbm, zeros_hbm, out_hbm, idx_v, rows, acc_sh,
           gsems, ssems, isem):
    c = lax.axis_index("c")
    s = lax.axis_index("s")
    wid = c * NS + s
    base_e = wid * EW

    def gslice(j):
      return src_hbm.at[pl.ds(base_e + j * C, C)]

    def gather_start(j, b):
      pltpu.async_copy(gslice(j), rows.at[b], gsems[b])

    def gather_wait(j, b):
      pltpu.make_async_copy(gslice(j), rows.at[b], gsems[b]).wait()

    def scatter_start(j, b):
      pltpu.async_copy(rows.at[b], acc_sh.at[idx_v.at[pl.ds(j * C, C)]],
                       ssems[b], add=True)

    def scatter_wait(j, b):
      pltpu.make_async_copy(rows.at[b], acc_sh.at[idx_v.at[pl.ds(j * C, C)]],
                            ssems[b]).wait()

    pltpu.async_copy(idx_hbm.at[pl.ds(base_e, EW)], idx_v, isem)
    for b in range(G):
      gather_start(b, b)

    r0 = s * SPT

    @pl.when(c == 0)
    def _():
      pltpu.sync_copy(src_hbm.at[pl.ds(N_EDGES + r0, SPT)],
                      acc_sh.at[pl.ds(r0, SPT)])

      @pl.when(s == NS - 1)
      def _():
        pltpu.sync_copy(src_hbm.at[pl.ds(N_EDGES + NS * SPT, REM)],
                        acc_sh.at[pl.ds(NS * SPT, REM)])

    @pl.when(c == 1)
    def _():
      pltpu.sync_copy(zeros_hbm.at[pl.ds(0, SPT)],
                      acc_sh.at[pl.ds(r0, SPT)])

      @pl.when(s == NS - 1)
      def _():
        pltpu.sync_copy(zeros_hbm.at[pl.ds(0, REM)],
                        acc_sh.at[pl.ds(NS * SPT, REM)])

    pltpu.make_async_copy(idx_hbm.at[pl.ds(base_e, EW)], idx_v,
                          isem).wait()
    plsc.subcore_barrier()

    for b in range(NB):
      if b >= S:
        scatter_wait(b - S, b - S)
      gather_start(b + G, (b + G) % NB)
      gather_wait(b, b)
      scatter_start(b, b)

    def group(i, carry):
      for b in range(NB):
        j = NB * i + b
        scatter_wait(j - S, (b - S) % NB)
        gather_start(j + G, (b + G) % NB)
        gather_wait(j, b)
        scatter_start(j, b)
      return carry

    lax.fori_loop(1, K // NB - 1, group, 0)

    tail = (K // NB - 1) * NB
    for t in range(tail, K):
      b = t % NB
      scatter_wait(t - S, (b - S) % NB)
      if t + G < K:
        gather_start(t + G, (t + G) % NB)
      gather_wait(t, b)
      scatter_start(t, b)
    for t in range(K - S, K):
      scatter_wait(t, t % NB)

    plsc.subcore_barrier()

    r0 = s * SPT
    pltpu.sync_copy(acc_sh.at[pl.ds(r0, SPT)],
                    out_hbm.at[c, pl.ds(r0, SPT)])

    @pl.when(s == NS - 1)
    def _():
      pltpu.sync_copy(acc_sh.at[pl.ds(NS * SPT, REM)],
                      out_hbm.at[c, pl.ds(NS * SPT, REM)])

  return body(src_emb, dst_ids, zeros)


def _final_add(partials):
  def body(a_ref, o_ref):
    o_ref[...] = a_ref[0] + a_ref[1]

  return pl.pallas_call(
      body,
      grid=(2,),
      in_specs=[pl.BlockSpec((NC, 5000, D), lambda i: (0, i, 0))],
      out_specs=pl.BlockSpec((5000, D), lambda i: (i, 0)),
      out_shape=jax.ShapeDtypeStruct((N_DST, D), jnp.float32),
  )(partials)


ZR = SPT + REM


def kernel(src_emb, src_emb_in, dst_ids):
  del src_emb_in
  zeros = jnp.zeros((ZR, D), jnp.float32)
  partials = _sc_partials(src_emb, dst_ids.astype(jnp.int32), zeros)
  return _final_add(partials)

# --- scband reference (transcript-rebuilt; emitter-appended) ---
"""Pipeline reference for scband-a-sum-op-6631429505523 (READ-ONLY COPY).

The authoritative reference and input builder live on the scoring server;
editing this copy changes nothing except your own understanding.
"""

import jax, jax.numpy as jnp
import numpy as np

N_DST = 10000
N_EDGES = 320000
D_FEAT = 128

def setup_inputs(seed: int = 0) -> dict:
    key = jax.random.key(seed)
    k1, k2, k3 = jax.random.split(key, 3)
    src_emb = jax.random.normal(k1, (N_EDGES + N_DST, D_FEAT), dtype=jnp.float32)
    src_emb_in = jax.random.normal(k2, (N_EDGES + N_DST, D_FEAT), dtype=jnp.float32)
    dst_ids = jax.random.randint(k3, (N_EDGES,), 0, N_DST, dtype=jnp.int64 if jax.config.read('jax_enable_x64') else jnp.int32)
    return {"src_emb": src_emb, "src_emb_in": src_emb_in, "dst_ids": dst_ids}

def reference(src_emb, src_emb_in, dst_ids):
    # DGL semantics: block.edata['msg_e'] = src_emb[:num_edges]
    # update_all(copy_edge, sum) -> per-dst-node sum of incoming edge messages
    E = dst_ids.shape[0]
    msgs = src_emb[:E, :]
    h = jax.ops.segment_sum(msgs, dst_ids, num_segments=N_DST)
    # dropout is identity in eval mode; add dst-node self embeddings
    h_node = h + src_emb[E:, :]
    return h_node

if __name__ == "__main__":
    import jax
    _d = setup_inputs()
    print(jax.jit(kernel)(*tuple(_d.values())))

</pallas_src>

<mosaic_0001>
#map = affine_map<(d0, d1) -> (0, 0)>
#map1 = affine_map<(d0, d1) -> (0)>
#map2 = affine_map<(d0, d1) -> (0, 0, 0)>
module attributes {stable_mosaic.version = 14 : i64} {
  func.func @body(%arg0: i32, %arg1: i32, %arg2: memref<330000x128xf32, #tpu.memory_space<hbm>>, %arg3: memref<320000xi32, #tpu.memory_space<hbm>>, %arg4: memref<640x128xf32, #tpu.memory_space<hbm>>, %arg5: memref<2x10000x128xf32, #tpu.memory_space<hbm>>, %arg6: memref<10000xi32, #tpu.memory_space<vmem>>, %arg7: memref<4x80x128xf32, #tpu.memory_space<vmem>>, %arg8: memref<10000x128xf32, #tpu.memory_space<vmem_shared>>, %arg9: memref<!tpu.dma_semaphore, #tpu.memory_space<semaphore_mem>>, %arg10: memref<!tpu.dma_semaphore, #tpu.memory_space<semaphore_mem>>, %arg11: memref<!tpu.dma_semaphore, #tpu.memory_space<semaphore_mem>>, %arg12: memref<!tpu.dma_semaphore, #tpu.memory_space<semaphore_mem>>, %arg13: memref<!tpu.dma_semaphore, #tpu.memory_space<semaphore_mem>>, %arg14: memref<!tpu.dma_semaphore, #tpu.memory_space<semaphore_mem>>, %arg15: memref<!tpu.dma_semaphore, #tpu.memory_space<semaphore_mem>>, %arg16: memref<!tpu.dma_semaphore, #tpu.memory_space<semaphore_mem>>, %arg17: memref<!tpu.dma_semaphore, #tpu.memory_space<semaphore_mem>>) attributes {dimension_semantics = [#tpu.dimension_semantics<core_parallel>, #tpu.dimension_semantics<subcore_parallel>], iteration_bounds = array<i64: 2, 16>, scalar_prefetch = 0 : i64, scratch_operands = 12 : i64, tpu.core_type = #tpu.core_type<sc_vector_subcore>, window_params = [{transform_indices = #map}, {transform_indices = #map1}, {transform_indices = #map}, {transform_indices = #map2}]} {
    %mul3A = arith.constant 16 : i32
    %mul3A_0 = arith.muli %arg0, %mul3A : i32
    %add3A = arith.addi %mul3A_0, %arg1 : i32
    %mul3A_1 = arith.constant 10000 : i32
    %mul3A_2 = arith.muli %add3A, %mul3A_1 : i32
    %dma_start3A = tpu.memref_slice %arg3[%mul3A_2] : memref<320000xi32, #tpu.memory_space<hbm>> -> memref<10000xi32, #tpu.memory_space<hbm>>
    %dma_start3A_3 = tpu.memref_slice %arg3[%mul3A_2] : memref<320000xi32, #tpu.memory_space<hbm>> -> memref<10000xi32, #tpu.memory_space<hbm>>
    tpu.enqueue_dma source(%dma_start3A_3 : memref<10000xi32, #tpu.memory_space<hbm>>) target(%arg6 : memref<10000xi32, #tpu.memory_space<vmem>>) target_semaphore(%arg17 : memref<!tpu.dma_semaphore, #tpu.memory_space<semaphore_mem>>)
    %add3A_4 = arith.constant 0 : i32
    %add3A_5 = arith.addi %mul3A_2, %add3A_4 : i32
    %dma_start3A_6 = arith.constant 0 : i32
    %dma_start3A_7 = arith.constant 0 : i32
    %dma_start3A_8 = arith.constant 0 : i32
    %dma_start3A_9 = tpu.memref_slice %arg7[%dma_start3A_6, %dma_start3A_7, %dma_start3A_8] : memref<4x80x128xf32, #tpu.memory_space<vmem>> -> memref<1x80x128xf32, #tpu.memory_space<vmem>>
    %dma_start3A_10 = tpu.memref_squeeze %dma_start3A_9 : memref<1x80x128xf32, #tpu.memory_space<vmem>> -> memref<80x128xf32, #tpu.memory_space<vmem>>
    %dma_start3A_11 = arith.constant 0 : i32
    %dma_start3A_12 = tpu.memref_slice %arg2[%add3A_5, %dma_start3A_11] : memref<330000x128xf32, #tpu.memory_space<hbm>> -> memref<80x128xf32, #tpu.memory_space<hbm>>
    %dma_start3A_13 = arith.constant 0 : i32
    %dma_start3A_14 = arith.constant 0 : i32
    %dma_start3A_15 = tpu.memref_slice %arg7[%dma_start3A_6, %dma_start3A_13, %dma_start3A_14] : memref<4x80x128xf32, #tpu.memory_space<vmem>> -> memref<1x80x128xf32, #tpu.memory_space<vmem>>
    %dma_start3A_16 = tpu.memref_squeeze %dma_start3A_15 : memref<1x80x128xf32, #tpu.memory_space<vmem>> -> memref<80x128xf32, #tpu.memory_space<vmem>>
    %dma_start3A_17 = arith.constant 0 : i32
    %dma_start3A_18 = tpu.memref_slice %arg2[%add3A_5, %dma_start3A_17] : memref<330000x128xf32, #tpu.memory_space<hbm>> -> memref<80x128xf32, #tpu.memory_space<hbm>>
    tpu.enqueue_dma source(%dma_start3A_18 : memref<80x128xf32, #tpu.memory_space<hbm>>) target(%dma_start3A_16 : memref<80x128xf32, #tpu.memory_space<vmem>>) target_semaphore(%arg9 : memref<!tpu.dma_semaphore, #tpu.memory_space<semaphore_mem>>)
    %add3A_19 = arith.constant 80 : i32
    %add3A_20 = arith.addi %mul3A_2, %add3A_19 : i32
    %dma_start3A_21 = arith.constant 1 : i32
    %dma_start3A_22 = arith.constant 0 : i32
    %dma_start3A_23 = arith.constant 0 : i32
    %dma_start3A_24 = tpu.memref_slice %arg7[%dma_start3A_21, %dma_start3A_22, %dma_start3A_23] : memref<4x80x128xf32, #tpu.memory_space<vmem>> -> memref<1x80x128xf32, #tpu.memory_space<vmem>>
    %dma_start3A_25 = tpu.memref_squeeze %dma_start3A_24 : memref<1x80x128xf32, #tpu.memory_space<vmem>> -> memref<80x128xf32, #tpu.memory_space<vmem>>
    %dma_start3A_26 = arith.constant 0 : i32
    %dma_start3A_27 = tpu.memref_slice %arg2[%add3A_20, %dma_start3A_26] : memref<330000x128xf32, #tpu.memory_space<hbm>> -> memref<80x128xf32, #tpu.memory_space<hbm>>
    %dma_start3A_28 = arith.constant 0 : i32
    %dma_start3A_29 = arith.constant 0 : i32
    %dma_start3A_30 = tpu.memref_slice %arg7[%dma_start3A_21, %dma_start3A_28, %dma_start3A_29] : memref<4x80x128xf32, #tpu.memory_space<vmem>> -> memref<1x80x128xf32, #tpu.memory_space<vmem>>
    %dma_start3A_31 = tpu.memref_squeeze %dma_start3A_30 : memref<1x80x128xf32, #tpu.memory_space<vmem>> -> memref<80x128xf32, #tpu.memory_space<vmem>>
    %dma_start3A_32 = arith.constant 0 : i32
    %dma_start3A_33 = tpu.memref_slice %arg2[%add3A_20, %dma_start3A_32] : memref<330000x128xf32, #tpu.memory_space<hbm>> -> memref<80x128xf32, #tpu.memory_space<hbm>>
    tpu.enqueue_dma source(%dma_start3A_33 : memref<80x128xf32, #tpu.memory_space<hbm>>) target(%dma_start3A_31 : memref<80x128xf32, #tpu.memory_space<vmem>>) target_semaphore(%arg10 : memref<!tpu.dma_semaphore, #tpu.memory_space<semaphore_mem>>)
    %add3A_34 = arith.constant 160 : i32
    %add3A_35 = arith.addi %mul3A_2, %add3A_34 : i32
    %dma_start3A_36 = arith.constant 2 : i32
    %dma_start3A_37 = arith.constant 0 : i32
    %dma_start3A_38 = arith.constant 0 : i32
    %dma_start3A_39 = tpu.memref_slice %arg7[%dma_start3A_36, %dma_start3A_37, %dma_start3A_38] : memref<4x80x128xf32, #tpu.memory_space<vmem>> -> memref<1x80x128xf32, #tpu.memory_space<vmem>>
    %dma_start3A_40 = tpu.memref_squeeze %dma_start3A_39 : memref<1x80x128xf32, #tpu.memory_space<vmem>> -> memref<80x128xf32, #tpu.memory_space<vmem>>
    %dma_start3A_41 = arith.constant 0 : i32
    %dma_start3A_42 = tpu.memref_slice %arg2[%add3A_35, %dma_start3A_41] : memref<330000x128xf32, #tpu.memory_space<hbm>> -> memref<80x128xf32, #tpu.memory_space<hbm>>
    %dma_start3A_43 = arith.constant 0 : i32
    %dma_start3A_44 = arith.constant 0 : i32
    %dma_start3A_45 = tpu.memref_slice %arg7[%dma_start3A_36, %dma_start3A_43, %dma_start3A_44] : memref<4x80x128xf32, #tpu.memory_space<vmem>> -> memref<1x80x128xf32, #tpu.memory_space<vmem>>
    %dma_start3A_46 = tpu.memref_squeeze %dma_start3A_45 : memref<1x80x128xf32, #tpu.memory_space<vmem>> -> memref<80x128xf32, #tpu.memory_space<vmem>>
    %dma_start3A_47 = arith.constant 0 : i32
    %dma_start3A_48 = tpu.memref_slice %arg2[%add3A_35, %dma_start3A_47] : memref<330000x128xf32, #tpu.memory_space<hbm>> -> memref<80x128xf32, #tpu.memory_space<hbm>>
    tpu.enqueue_dma source(%dma_start3A_48 : memref<80x128xf32, #tpu.memory_space<hbm>>) target(%dma_start3A_46 : memref<80x128xf32, #tpu.memory_space<vmem>>) target_semaphore(%arg11 : memref<!tpu.dma_semaphore, #tpu.memory_space<semaphore_mem>>)
    %mul3A_49 = arith.constant 624 : i32
    %mul3A_50 = arith.muli %arg1, %mul3A_49 : i32
    %eq3A = arith.constant 0 : i32
    %eq3A_51 = arith.cmpi eq, %arg0, %eq3A : i32
    %convert_element_type3A = arith.extui %eq3A_51 : i1 to i32
    %cond3A = arith.constant 0 : i32
    %cond3A_52 = arith.cmpi ne, %convert_element_type3A, %cond3A : i32
    scf.if %cond3A_52 {
      %add3A_477 = arith.constant 320000 : i32
      %add3A_478 = arith.addi %add3A_477, %mul3A_50 : i32
      "tpu.region"() ({
        %run_scoped3A = tpu.sem_alloc : memref<!tpu.dma_semaphore, #tpu.memory_space<semaphore_mem>>
        %dma_start3A_484 = arith.constant 0 : i32
        %dma_start3A_485 = tpu.memref_slice %arg8[%mul3A_50, %dma_start3A_484] : memref<10000x128xf32, #tpu.memory_space<vmem_shared>> -> memref<624x128xf32, #tpu.memory_space<vmem_shared>>
        %dma_start3A_486 = arith.constant 0 : i32
        %dma_start3A_487 = tpu.memref_slice %arg2[%add3A_478, %dma_start3A_486] : memref<330000x128xf32, #tpu.memory_space<hbm>> -> memref<624x128xf32, #tpu.memory_space<hbm>>
        tpu.enqueue_dma source(%dma_start3A_487 : memref<624x128xf32, #tpu.memory_space<hbm>>) target(%dma_start3A_485 : memref<624x128xf32, #tpu.memory_space<vmem_shared>>) target_semaphore(%run_scoped3A : memref<!tpu.dma_semaphore, #tpu.memory_space<semaphore_mem>>)
        %dma_wait3A_488 = arith.constant 0 : i32
        %dma_wait3A_489 = tpu.memref_slice %arg8[%mul3A_50, %dma_wait3A_488] : memref<10000x128xf32, #tpu.memory_space<vmem_shared>> -> memref<624x128xf32, #tpu.memory_space<vmem_shared>>
        %dma_wait3A_490 = arith.constant 0 : i32
        %dma_wait3A_491 = tpu.memref_slice %arg2[%add3A_478, %dma_wait3A_490] : memref<330000x128xf32, #tpu.memory_space<hbm>> -> memref<624x128xf32, #tpu.memory_space<hbm>>
        tpu.wait_dma2 semaphore(%run_scoped3A : memref<!tpu.dma_semaphore, #tpu.memory_space<semaphore_mem>>) src(%dma_wait3A_491 : memref<624x128xf32, #tpu.memory_space<hbm>>) dst(%dma_wait3A_489 : memref<624x128xf32, #tpu.memory_space<vmem_shared>>)
        tpu.yield
      }) : () -> ()
      %eq3A_479 = arith.constant 15 : i32
      %eq3A_480 = arith.cmpi eq, %arg1, %eq3A_479 : i32
      %convert_element_type3A_481 = arith.extui %eq3A_480 : i1 to i32
      %cond3A_482 = arith.constant 0 : i32
      %cond3A_483 = arith.cmpi ne, %convert_element_type3A_481, %cond3A_482 : i32
      scf.if %cond3A_483 {
        "tpu.region"() ({
          %run_scoped3A = tpu.sem_alloc : memref<!tpu.dma_semaphore, #tpu.memory_space<semaphore_mem>>
          %dma_start3A_484 = arith.constant 9984 : i32
          %dma_start3A_485 = arith.constant 0 : i32
          %dma_start3A_486 = tpu.memref_slice %arg8[%dma_start3A_484, %dma_start3A_485] : memref<10000x128xf32, #tpu.memory_space<vmem_shared>> -> memref<16x128xf32, #tpu.memory_space<vmem_shared>>
          %dma_start3A_487 = arith.constant 329984 : i32
          %dma_start3A_488 = arith.constant 0 : i32
          %dma_start3A_489 = tpu.memref_slice %arg2[%dma_start3A_487, %dma_start3A_488] : memref<330000x128xf32, #tpu.memory_space<hbm>> -> memref<16x128xf32, #tpu.memory_space<hbm>>
          tpu.enqueue_dma source(%dma_start3A_489 : memref<16x128xf32, #tpu.memory_space<hbm>>) target(%dma_start3A_486 : memref<16x128xf32, #tpu.memory_space<vmem_shared>>) target_semaphore(%run_scoped3A : memref<!tpu.dma_semaphore, #tpu.memory_space<semaphore_mem>>)
          %dma_wait3A_490 = arith.constant 9984 : i32
          %dma_wait3A_491 = arith.constant 0 : i32
          %dma_wait3A_492 = tpu.memref_slice %arg8[%dma_wait3A_490, %dma_wait3A_491] : memref<10000x128xf32, #tpu.memory_space<vmem_shared>> -> memref<16x128xf32, #tpu.memory_space<vmem_shared>>
          %dma_wait3A_493 = arith.constant 329984 : i32
          %dma_wait3A_494 = arith.constant 0 : i32
          %dma_wait3A_495 = tpu.memref_slice %arg2[%dma_wait3A_493, %dma_wait3A_494] : memref<330000x128xf32, #tpu.memory_space<hbm>> -> memref<16x128xf32, #tpu.memory_space<hbm>>
          tpu.wait_dma2 semaphore(%run_scoped3A : memref<!tpu.dma_semaphore, #tpu.memory_space<semaphore_mem>>) src(%dma_wait3A_495 : memref<16x128xf32, #tpu.memory_space<hbm>>) dst(%dma_wait3A_492 : memref<16x128xf32, #tpu.memory_space<vmem_shared>>)
          tpu.yield
        }) : () -> ()
      } else {
      }
    } else {
    }
    %eq3A_53 = arith.constant 1 : i32
    %eq3A_54 = arith.cmpi eq, %arg0, %eq3A_53 : i32
    %convert_element_type3A_55 = arith.extui %eq3A_54 : i1 to i32
    %cond3A_56 = arith.constant 0 : i32
    %cond3A_57 = arith.cmpi ne, %convert_element_type3A_55, %cond3A_56 : i32
    scf.if %cond3A_57 {
      "tpu.region"() ({
        %run_scoped3A = tpu.sem_alloc : memref<!tpu.dma_semaphore, #tpu.memory_space<semaphore_mem>>
        %dma_start3A_482 = arith.constant 0 : i32
        %dma_start3A_483 = tpu.memref_slice %arg8[%mul3A_50, %dma_start3A_482] : memref<10000x128xf32, #tpu.memory_space<vmem_shared>> -> memref<624x128xf32, #tpu.memory_space<vmem_shared>>
        %dma_start3A_484 = arith.constant 0 : i32
        %dma_start3A_485 = arith.constant 0 : i32
        %dma_start3A_486 = tpu.memref_slice %arg4[%dma_start3A_484, %dma_start3A_485] : memref<640x128xf32, #tpu.memory_space<hbm>> -> memref<624x128xf32, #tpu.memory_space<hbm>>
        tpu.enqueue_dma source(%dma_start3A_486 : memref<624x128xf32, #tpu.memory_space<hbm>>) target(%dma_start3A_483 : memref<624x128xf32, #tpu.memory_space<vmem_shared>>) target_semaphore(%run_scoped3A : memref<!tpu.dma_semaphore, #tpu.memory_space<semaphore_mem>>)
        %dma_wait3A_487 = arith.constant 0 : i32
        %dma_wait3A_488 = tpu.memref_slice %arg8[%mul3A_50, %dma_wait3A_487] : memref<10000x128xf32, #tpu.memory_space<vmem_shared>> -> memref<624x128xf32, #tpu.memory_space<vmem_shared>>
        %dma_wait3A_489 = arith.constant 0 : i32
        %dma_wait3A_490 = arith.constant 0 : i32
        %dma_wait3A_491 = tpu.memref_slice %arg4[%dma_wait3A_489, %dma_wait3A_490] : memref<640x128xf32, #tpu.memory_space<hbm>> -> memref<624x128xf32, #tpu.memory_space<hbm>>
        tpu.wait_dma2 semaphore(%run_scoped3A : memref<!tpu.dma_semaphore, #tpu.memory_space<semaphore_mem>>) src(%dma_wait3A_491 : memref<624x128xf32, #tpu.memory_space<hbm>>) dst(%dma_wait3A_488 : memref<624x128xf32, #tpu.memory_space<vmem_shared>>)
        tpu.yield
      }) : () -> ()
      %eq3A_477 = arith.constant 15 : i32
      %eq3A_478 = arith.cmpi eq, %arg1, %eq3A_477 : i32
      %convert_element_type3A_479 = arith.extui %eq3A_478 : i1 to i32
      %cond3A_480 = arith.constant 0 : i32
      %cond3A_481 = arith.cmpi ne, %convert_element_type3A_479, %cond3A_480 : i32
      scf.if %cond3A_481 {
        "tpu.region"() ({
          %run_scoped3A = tpu.sem_alloc : memref<!tpu.dma_semaphore, #tpu.memory_space<semaphore_mem>>
          %dma_start3A_482 = arith.constant 9984 : i32
          %dma_start3A_483 = arith.constant 0 : i32
          %dma_start3A_484 = tpu.memref_slice %arg8[%dma_start3A_482, %dma_start3A_483] : memref<10000x128xf32, #tpu.memory_space<vmem_shared>> -> memref<16x128xf32, #tpu.memory_space<vmem_shared>>
          %dma_start3A_485 = arith.constant 0 : i32
          %dma_start3A_486 = arith.constant 0 : i32
          %dma_start3A_487 = tpu.memref_slice %arg4[%dma_start3A_485, %dma_start3A_486] : memref<640x128xf32, #tpu.memory_space<hbm>> -> memref<16x128xf32, #tpu.memory_space<hbm>>
          tpu.enqueue_dma source(%dma_start3A_487 : memref<16x128xf32, #tpu.memory_space<hbm>>) target(%dma_start3A_484 : memref<16x128xf32, #tpu.memory_space<vmem_shared>>) target_semaphore(%run_scoped3A : memref<!tpu.dma_semaphore, #tpu.memory_space<semaphore_mem>>)
          %dma_wait3A_488 = arith.constant 9984 : i32
          %dma_wait3A_489 = arith.constant 0 : i32
          %dma_wait3A_490 = tpu.memref_slice %arg8[%dma_wait3A_488, %dma_wait3A_489] : memref<10000x128xf32, #tpu.memory_space<vmem_shared>> -> memref<16x128xf32, #tpu.memory_space<vmem_shared>>
          %dma_wait3A_491 = arith.constant 0 : i32
          %dma_wait3A_492 = arith.constant 0 : i32
          %dma_wait3A_493 = tpu.memref_slice %arg4[%dma_wait3A_491, %dma_wait3A_492] : memref<640x128xf32, #tpu.memory_space<hbm>> -> memref<16x128xf32, #tpu.memory_space<hbm>>
          tpu.wait_dma2 semaphore(%run_scoped3A : memref<!tpu.dma_semaphore, #tpu.memory_space<semaphore_mem>>) src(%dma_wait3A_493 : memref<16x128xf32, #tpu.memory_space<hbm>>) dst(%dma_wait3A_490 : memref<16x128xf32, #tpu.memory_space<vmem_shared>>)
          tpu.yield
        }) : () -> ()
      } else {
      }
    } else {
    }
    %dma_wait3A = tpu.memref_slice %arg3[%mul3A_2] : memref<320000xi32, #tpu.memory_space<hbm>> -> memref<10000xi32, #tpu.memory_space<hbm>>
    %dma_wait3A_58 = tpu.memref_slice %arg3[%mul3A_2] : memref<320000xi32, #tpu.memory_space<hbm>> -> memref<10000xi32, #tpu.memory_space<hbm>>
    tpu.wait_dma2 semaphore(%arg17 : memref<!tpu.dma_semaphore, #tpu.memory_space<semaphore_mem>>) src(%dma_wait3A_58 : memref<10000xi32, #tpu.memory_space<hbm>>) dst(%arg6 : memref<10000xi32, #tpu.memory_space<vmem>>)
    %barrier3A = arith.constant 0 : index
    tpu.barrier barrier_id(%barrier3A)
    %add3A_59 = arith.constant 240 : i32
    %add3A_60 = arith.addi %mul3A_2, %add3A_59 : i32
    %dma_start3A_61 = arith.constant 3 : i32
    %dma_start3A_62 = arith.constant 0 : i32
    %dma_start3A_63 = arith.constant 0 : i32
    %dma_start3A_64 = tpu.memref_slice %arg7[%dma_start3A_61, %dma_start3A_62, %dma_start3A_63] : memref<4x80x128xf32, #tpu.memory_space<vmem>> -> memref<1x80x128xf32, #tpu.memory_space<vmem>>
    %dma_start3A_65 = tpu.memref_squeeze %dma_start3A_64 : memref<1x80x128xf32, #tpu.memory_space<vmem>> -> memref<80x128xf32, #tpu.memory_space<vmem>>
    %dma_start3A_66 = arith.constant 0 : i32
    %dma_start3A_67 = tpu.memref_slice %arg2[%add3A_60, %dma_start3A_66] : memref<330000x128xf32, #tpu.memory_space<hbm>> -> memref<80x128xf32, #tpu.memory_space<hbm>>
    %dma_start3A_68 = arith.constant 0 : i32
    %dma_start3A_69 = arith.constant 0 : i32
    %dma_start3A_70 = tpu.memref_slice %arg7[%dma_start3A_61, %dma_start3A_68, %dma_start3A_69] : memref<4x80x128xf32, #tpu.memory_space<vmem>> -> memref<1x80x128xf32, #tpu.memory_space<vmem>>
    %dma_start3A_71 = tpu.memref_squeeze %dma_start3A_70 : memref<1x80x128xf32, #tpu.memory_space<vmem>> -> memref<80x128xf32, #tpu.memory_space<vmem>>
    %dma_start3A_72 = arith.constant 0 : i32
    %dma_start3A_73 = tpu.memref_slice %arg2[%add3A_60, %dma_start3A_72] : memref<330000x128xf32, #tpu.memory_space<hbm>> -> memref<80x128xf32, #tpu.memory_space<hbm>>
    tpu.enqueue_dma source(%dma_start3A_73 : memref<80x128xf32, #tpu.memory_space<hbm>>) target(%dma_start3A_71 : memref<80x128xf32, #tpu.memory_space<vmem>>) target_semaphore(%arg12 : memref<!tpu.dma_semaphore, #tpu.memory_space<semaphore_mem>>)
    %add3A_74 = arith.constant 0 : i32
    %add3A_75 = arith.addi %mul3A_2, %add3A_74 : i32
    %dma_wait3A_76 = arith.constant 0 : i32
    %dma_wait3A_77 = arith.constant 0 : i32
    %dma_wait3A_78 = arith.constant 0 : i32
    %dma_wait3A_79 = tpu.memref_slice %arg7[%dma_wait3A_76, %dma_wait3A_77, %dma_wait3A_78] : memref<4x80x128xf32, #tpu.memory_space<vmem>> -> memref<1x80x128xf32, #tpu.memory_space<vmem>>
    %dma_wait3A_80 = tpu.memref_squeeze %dma_wait3A_79 : memref<1x80x128xf32, #tpu.memory_space<vmem>> -> memref<80x128xf32, #tpu.memory_space<vmem>>
    %dma_wait3A_81 = arith.constant 0 : i32
    %dma_wait3A_82 = tpu.memref_slice %arg2[%add3A_75, %dma_wait3A_81] : memref<330000x128xf32, #tpu.memory_space<hbm>> -> memref<80x128xf32, #tpu.memory_space<hbm>>
    %dma_wait3A_83 = arith.constant 0 : i32
    %dma_wait3A_84 = arith.constant 0 : i32
    %dma_wait3A_85 = tpu.memref_slice %arg7[%dma_wait3A_76, %dma_wait3A_83, %dma_wait3A_84] : memref<4x80x128xf32, #tpu.memory_space<vmem>> -> memref<1x80x128xf32, #tpu.memory_space<vmem>>
    %dma_wait3A_86 = tpu.memref_squeeze %dma_wait3A_85 : memref<1x80x128xf32, #tpu.memory_space<vmem>> -> memref<80x128xf32, #tpu.memory_space<vmem>>
    %dma_wait3A_87 = arith.constant 0 : i32
    %dma_wait3A_88 = tpu.memref_slice %arg2[%add3A_75, %dma_wait3A_87] : memref<330000x128xf32, #tpu.memory_space<hbm>> -> memref<80x128xf32, #tpu.memory_space<hbm>>
    tpu.wait_dma2 semaphore(%arg9 : memref<!tpu.dma_semaphore, #tpu.memory_space<semaphore_mem>>) src(%dma_wait3A_88 : memref<80x128xf32, #tpu.memory_space<hbm>>) dst(%dma_wait3A_86 : memref<80x128xf32, #tpu.memory_space<vmem>>)
    %dma_start3A_89 = arith.constant 0 : i32
    %dma_start3A_90 = arith.constant 0 : i32
    %dma_start3A_91 = arith.constant 0 : i32
    %dma_start3A_92 = tpu.memref_slice %arg7[%dma_start3A_89, %dma_start3A_90, %dma_start3A_91] : memref<4x80x128xf32, #tpu.memory_space<vmem>> -> memref<1x80x128xf32, #tpu.memory_space<vmem>>
    %dma_start3A_93 = tpu.memref_squeeze %dma_start3A_92 : memref<1x80x128xf32, #tpu.memory_space<vmem>> -> memref<80x128xf32, #tpu.memory_space<vmem>>
    %dma_start3A_94 = arith.constant 0 : i32
    %dma_start3A_95 = tpu.memref_slice %arg6[%dma_start3A_94] : memref<10000xi32, #tpu.memory_space<vmem>> -> memref<80xi32, #tpu.memory_space<vmem>>
    %dma_start3A_96 = arith.constant 0 : i32
    %dma_start3A_97 = arith.constant 0 : i32
    %dma_start3A_98 = tpu.memref_slice %arg8[%dma_start3A_96, %dma_start3A_97] : memref<10000x128xf32, #tpu.memory_space<vmem_shared>> -> memref<10000x128xf32, #tpu.memory_space<vmem_shared>>
    tpu.enqueue_indirect_dma source(%dma_start3A_93 : memref<80x128xf32, #tpu.memory_space<vmem>>) target(%dma_start3A_98 : memref<10000x128xf32, #tpu.memory_space<vmem_shared>>) offsets(%dma_start3A_95 : memref<80xi32, #tpu.memory_space<vmem>>) semaphore(%arg13 : memref<!tpu.dma_semaphore, #tpu.memory_space<semaphore_mem>>) {add = true}
    %dma_wait3A_99 = arith.constant 0 : i32
    %dma_wait3A_100 = arith.constant 0 : i32
    %dma_wait3A_101 = arith.constant 0 : i32
    %dma_wait3A_102 = tpu.memref_slice %arg7[%dma_wait3A_99, %dma_wait3A_100, %dma_wait3A_101] : memref<4x80x128xf32, #tpu.memory_space<vmem>> -> memref<1x80x128xf32, #tpu.memory_space<vmem>>
    %dma_wait3A_103 = tpu.memref_squeeze %dma_wait3A_102 : memref<1x80x128xf32, #tpu.memory_space<vmem>> -> memref<80x128xf32, #tpu.memory_space<vmem>>
    %dma_wait3A_104 = arith.constant 0 : i32
    %dma_wait3A_105 = tpu.memref_slice %arg6[%dma_wait3A_104] : memref<10000xi32, #tpu.memory_space<vmem>> -> memref<80xi32, #tpu.memory_space<vmem>>
    %dma_wait3A_106 = arith.constant 0 : i32
    %dma_wait3A_107 = arith.constant 0 : i32
    %dma_wait3A_108 = tpu.memref_slice %arg8[%dma_wait3A_106, %dma_wait3A_107] : memref<10000x128xf32, #tpu.memory_space<vmem_shared>> -> memref<10000x128xf32, #tpu.memory_space<vmem_shared>>
    tpu.wait_indirect_dma semaphore(%arg13 : memref<!tpu.dma_semaphore, #tpu.memory_space<semaphore_mem>>) src(%dma_wait3A_103 : memref<80x128xf32, #tpu.memory_space<vmem>>) dst(%dma_wait3A_108 : memref<10000x128xf32, #tpu.memory_space<vmem_shared>>)
    %add3A_109 = arith.constant 320 : i32
    %add3A_110 = arith.addi %mul3A_2, %add3A_109 : i32
    %dma_start3A_111 = arith.constant 0 : i32
    %dma_start3A_112 = arith.constant 0 : i32
    %dma_start3A_113 = arith.constant 0 : i32
    %dma_start3A_114 = tpu.memref_slice %arg7[%dma_start3A_111, %dma_start3A_112, %dma_start3A_113] : memref<4x80x128xf32, #tpu.memory_space<vmem>> -> memref<1x80x128xf32, #tpu.memory_space<vmem>>
    %dma_start3A_115 = tpu.memref_squeeze %dma_start3A_114 : memref<1x80x128xf32, #tpu.memory_space<vmem>> -> memref<80x128xf32, #tpu.memory_space<vmem>>
    %dma_start3A_116 = arith.constant 0 : i32
    %dma_start3A_117 = tpu.memref_slice %arg2[%add3A_110, %dma_start3A_116] : memref<330000x128xf32, #tpu.memory_space<hbm>> -> memref<80x128xf32, #tpu.memory_space<hbm>>
    %dma_start3A_118 = arith.constant 0 : i32
    %dma_start3A_119 = arith.constant 0 : i32
    %dma_start3A_120 = tpu.memref_slice %arg7[%dma_start3A_111, %dma_start3A_118, %dma_start3A_119] : memref<4x80x128xf32, #tpu.memory_space<vmem>> -> memref<1x80x128xf32, #tpu.memory_space<vmem>>
    %dma_start3A_121 = tpu.memref_squeeze %dma_start3A_120 : memref<1x80x128xf32, #tpu.memory_space<vmem>> -> memref<80x128xf32, #tpu.memory_space<vmem>>
    %dma_start3A_122 = arith.constant 0 : i32
    %dma_start3A_123 = tpu.memref_slice %arg2[%add3A_110, %dma_start3A_122] : memref<330000x128xf32, #tpu.memory_space<hbm>> -> memref<80x128xf32, #tpu.memory_space<hbm>>
    tpu.enqueue_dma source(%dma_start3A_123 : memref<80x128xf32, #tpu.memory_space<hbm>>) target(%dma_start3A_121 : memref<80x128xf32, #tpu.memory_space<vmem>>) target_semaphore(%arg9 : memref<!tpu.dma_semaphore, #tpu.memory_space<semaphore_mem>>)
    %add3A_124 = arith.constant 80 : i32
    %add3A_125 = arith.addi %mul3A_2, %add3A_124 : i32
    %dma_wait3A_126 = arith.constant 1 : i32
    %dma_wait3A_127 = arith.constant 0 : i32
    %dma_wait3A_128 = arith.constant 0 : i32
    %dma_wait3A_129 = tpu.memref_slice %arg7[%dma_wait3A_126, %dma_wait3A_127, %dma_wait3A_128] : memref<4x80x128xf32, #tpu.memory_space<vmem>> -> memref<1x80x128xf32, #tpu.memory_space<vmem>>
    %dma_wait3A_130 = tpu.memref_squeeze %dma_wait3A_129 : memref<1x80x128xf32, #tpu.memory_space<vmem>> -> memref<80x128xf32, #tpu.memory_space<vmem>>
    %dma_wait3A_131 = arith.constant 0 : i32
    %dma_wait3A_132 = tpu.memref_slice %arg2[%add3A_125, %dma_wait3A_131] : memref<330000x128xf32, #tpu.memory_space<hbm>> -> memref<80x128xf32, #tpu.memory_space<hbm>>
    %dma_wait3A_133 = arith.constant 0 : i32
    %dma_wait3A_134 = arith.constant 0 : i32
    %dma_wait3A_135 = tpu.memref_slice %arg7[%dma_wait3A_126, %dma_wait3A_133, %dma_wait3A_134] : memref<4x80x128xf32, #tpu.memory_space<vmem>> -> memref<1x80x128xf32, #tpu.memory_space<vmem>>
    %dma_wait3A_136 = tpu.memref_squeeze %dma_wait3A_135 : memref<1x80x128xf32, #tpu.memory_space<vmem>> -> memref<80x128xf32, #tpu.memory_space<vmem>>
    %dma_wait3A_137 = arith.constant 0 : i32
    %dma_wait3A_138 = tpu.memref_slice %arg2[%add3A_125, %dma_wait3A_137] : memref<330000x128xf32, #tpu.memory_space<hbm>> -> memref<80x128xf32, #tpu.memory_space<hbm>>
    tpu.wait_dma2 semaphore(%arg10 : memref<!tpu.dma_semaphore, #tpu.memory_space<semaphore_mem>>) src(%dma_wait3A_138 : memref<80x128xf32, #tpu.memory_space<hbm>>) dst(%dma_wait3A_136 : memref<80x128xf32, #tpu.memory_space<vmem>>)
    %dma_start3A_139 = arith.constant 1 : i32
    %dma_start3A_140 = arith.constant 0 : i32
    %dma_start3A_141 = arith.constant 0 : i32
    %dma_start3A_142 = tpu.memref_slice %arg7[%dma_start3A_139, %dma_start3A_140, %dma_start3A_141] : memref<4x80x128xf32, #tpu.memory_space<vmem>> -> memref<1x80x128xf32, #tpu.memory_space<vmem>>
    %dma_start3A_143 = tpu.memref_squeeze %dma_start3A_142 : memref<1x80x128xf32, #tpu.memory_space<vmem>> -> memref<80x128xf32, #tpu.memory_space<vmem>>
    %dma_start3A_144 = arith.constant 80 : i32
    %dma_start3A_145 = tpu.memref_slice %arg6[%dma_start3A_144] : memref<10000xi32, #tpu.memory_space<vmem>> -> memref<80xi32, #tpu.memory_space<vmem>>
    %dma_start3A_146 = arith.constant 0 : i32
    %dma_start3A_147 = arith.constant 0 : i32
    %dma_start3A_148 = tpu.memref_slice %arg8[%dma_start3A_146, %dma_start3A_147] : memref<10000x128xf32, #tpu.memory_space<vmem_shared>> -> memref<10000x128xf32, #tpu.memory_space<vmem_shared>>
    tpu.enqueue_indirect_dma source(%dma_start3A_143 : memref<80x128xf32, #tpu.memory_space<vmem>>) target(%dma_start3A_148 : memref<10000x128xf32, #tpu.memory_space<vmem_shared>>) offsets(%dma_start3A_145 : memref<80xi32, #tpu.memory_space<vmem>>) semaphore(%arg14 : memref<!tpu.dma_semaphore, #tpu.memory_space<semaphore_mem>>) {add = true}
    %dma_wait3A_149 = arith.constant 1 : i32
    %dma_wait3A_150 = arith.constant 0 : i32
    %dma_wait3A_151 = arith.constant 0 : i32
    %dma_wait3A_152 = tpu.memref_slice %arg7[%dma_wait3A_149, %dma_wait3A_150, %dma_wait3A_151] : memref<4x80x128xf32, #tpu.memory_space<vmem>> -> memref<1x80x128xf32, #tpu.memory_space<vmem>>
    %dma_wait3A_153 = tpu.memref_squeeze %dma_wait3A_152 : memref<1x80x128xf32, #tpu.memory_space<vmem>> -> memref<80x128xf32, #tpu.memory_space<vmem>>
    %dma_wait3A_154 = arith.constant 80 : i32
    %dma_wait3A_155 = tpu.memref_slice %arg6[%dma_wait3A_154] : memref<10000xi32, #tpu.memory_space<vmem>> -> memref<80xi32, #tpu.memory_space<vmem>>
    %dma_wait3A_156 = arith.constant 0 : i32
    %dma_wait3A_157 = arith.constant 0 : i32
    %dma_wait3A_158 = tpu.memref_slice %arg8[%dma_wait3A_156, %dma_wait3A_157] : memref<10000x128xf32, #tpu.memory_space<vmem_shared>> -> memref<10000x128xf32, #tpu.memory_space<vmem_shared>>
    tpu.wait_indirect_dma semaphore(%arg14 : memref<!tpu.dma_semaphore, #tpu.memory_space<semaphore_mem>>) src(%dma_wait3A_153 : memref<80x128xf32, #tpu.memory_space<vmem>>) dst(%dma_wait3A_158 : memref<10000x128xf32, #tpu.memory_space<vmem_shared>>)
    %add3A_159 = arith.constant 400 : i32
    %add3A_160 = arith.addi %mul3A_2, %add3A_159 : i32
    %dma_start3A_161 = arith.constant 1 : i32
    %dma_start3A_162 = arith.constant 0 : i32
    %dma_start3A_163 = arith.constant 0 : i32
    %dma_start3A_164 = tpu.memref_slice %arg7[%dma_start3A_161, %dma_start3A_162, %dma_start3A_163] : memref<4x80x128xf32, #tpu.memory_space<vmem>> -> memref<1x80x128xf32, #tpu.memory_space<vmem>>
    %dma_start3A_165 = tpu.memref_squeeze %dma_start3A_164 : memref<1x80x128xf32, #tpu.memory_space<vmem>> -> memref<80x128xf32, #tpu.memory_space<vmem>>
    %dma_start3A_166 = arith.constant 0 : i32
    %dma_start3A_167 = tpu.memref_slice %arg2[%add3A_160, %dma_start3A_166] : memref<330000x128xf32, #tpu.memory_space<hbm>> -> memref<80x128xf32, #tpu.memory_space<hbm>>
    %dma_start3A_168 = arith.constant 0 : i32
    %dma_start3A_169 = arith.constant 0 : i32
    %dma_start3A_170 = tpu.memref_slice %arg7[%dma_start3A_161, %dma_start3A_168, %dma_start3A_169] : memref<4x80x128xf32, #tpu.memory_space<vmem>> -> memref<1x80x128xf32, #tpu.memory_space<vmem>>
    %dma_start3A_171 = tpu.memref_squeeze %dma_start3A_170 : memref<1x80x128xf32, #tpu.memory_space<vmem>> -> memref<80x128xf32, #tpu.memory_space<vmem>>
    %dma_start3A_172 = arith.constant 0 : i32
    %dma_start3A_173 = tpu.memref_slice %arg2[%add3A_160, %dma_start3A_172] : memref<330000x128xf32, #tpu.memory_space<hbm>> -> memref<80x128xf32, #tpu.memory_space<hbm>>
    tpu.enqueue_dma source(%dma_start3A_173 : memref<80x128xf32, #tpu.memory_space<hbm>>) target(%dma_start3A_171 : memref<80x128xf32, #tpu.memory_space<vmem>>) target_semaphore(%arg10 : memref<!tpu.dma_semaphore, #tpu.memory_space<semaphore_mem>>)
    %add3A_174 = arith.constant 160 : i32
    %add3A_175 = arith.addi %mul3A_2, %add3A_174 : i32
    %dma_wait3A_176 = arith.constant 2 : i32
    %dma_wait3A_177 = arith.constant 0 : i32
    %dma_wait3A_178 = arith.constant 0 : i32
    %dma_wait3A_179 = tpu.memref_slice %arg7[%dma_wait3A_176, %dma_wait3A_177, %dma_wait3A_178] : memref<4x80x128xf32, #tpu.memory_space<vmem>> -> memref<1x80x128xf32, #tpu.memory_space<vmem>>
    %dma_wait3A_180 = tpu.memref_squeeze %dma_wait3A_179 : memref<1x80x128xf32, #tpu.memory_space<vmem>> -> memref<80x128xf32, #tpu.memory_space<vmem>>
    %dma_wait3A_181 = arith.constant 0 : i32
    %dma_wait3A_182 = tpu.memref_slice %arg2[%add3A_175, %dma_wait3A_181] : memref<330000x128xf32, #tpu.memory_space<hbm>> -> memref<80x128xf32, #tpu.memory_space<hbm>>
    %dma_wait3A_183 = arith.constant 0 : i32
    %dma_wait3A_184 = arith.constant 0 : i32
    %dma_wait3A_185 = tpu.memref_slice %arg7[%dma_wait3A_176, %dma_wait3A_183, %dma_wait3A_184] : memref<4x80x128xf32, #tpu.memory_space<vmem>> -> memref<1x80x128xf32, #tpu.memory_space<vmem>>
    %dma_wait3A_186 = tpu.memref_squeeze %dma_wait3A_185 : memref<1x80x128xf32, #tpu.memory_space<vmem>> -> memref<80x128xf32, #tpu.memory_space<vmem>>
    %dma_wait3A_187 = arith.constant 0 : i32
    %dma_wait3A_188 = tpu.memref_slice %arg2[%add3A_175, %dma_wait3A_187] : memref<330000x128xf32, #tpu.memory_space<hbm>> -> memref<80x128xf32, #tpu.memory_space<hbm>>
    tpu.wait_dma2 semaphore(%arg11 : memref<!tpu.dma_semaphore, #tpu.memory_space<semaphore_mem>>) src(%dma_wait3A_188 : memref<80x128xf32, #tpu.memory_space<hbm>>) dst(%dma_wait3A_186 : memref<80x128xf32, #tpu.memory_space<vmem>>)
    %dma_start3A_189 = arith.constant 2 : i32
    %dma_start3A_190 = arith.constant 0 : i32
    %dma_start3A_191 = arith.constant 0 : i32
    %dma_start3A_192 = tpu.memref_slice %arg7[%dma_start3A_189, %dma_start3A_190, %dma_start3A_191] : memref<4x80x128xf32, #tpu.memory_space<vmem>> -> memref<1x80x128xf32, #tpu.memory_space<vmem>>
    %dma_start3A_193 = tpu.memref_squeeze %dma_start3A_192 : memref<1x80x128xf32, #tpu.memory_space<vmem>> -> memref<80x128xf32, #tpu.memory_space<vmem>>
    %dma_start3A_194 = arith.constant 160 : i32
    %dma_start3A_195 = tpu.memref_slice %arg6[%dma_start3A_194] : memref<10000xi32, #tpu.memory_space<vmem>> -> memref<80xi32, #tpu.memory_space<vmem>>
    %dma_start3A_196 = arith.constant 0 : i32
    %dma_start3A_197 = arith.constant 0 : i32
    %dma_start3A_198 = tpu.memref_slice %arg8[%dma_start3A_196, %dma_start3A_197] : memref<10000x128xf32, #tpu.memory_space<vmem_shared>> -> memref<10000x128xf32, #tpu.memory_space<vmem_shared>>
    tpu.enqueue_indirect_dma source(%dma_start3A_193 : memref<80x128xf32, #tpu.memory_space<vmem>>) target(%dma_start3A_198 : memref<10000x128xf32, #tpu.memory_space<vmem_shared>>) offsets(%dma_start3A_195 : memref<80xi32, #tpu.memory_space<vmem>>) semaphore(%arg15 : memref<!tpu.dma_semaphore, #tpu.memory_space<semaphore_mem>>) {add = true}
    %dma_wait3A_199 = arith.constant 2 : i32
    %dma_wait3A_200 = arith.constant 0 : i32
    %dma_wait3A_201 = arith.constant 0 : i32
    %dma_wait3A_202 = tpu.memref_slice %arg7[%dma_wait3A_199, %dma_wait3A_200, %dma_wait3A_201] : memref<4x80x128xf32, #tpu.memory_space<vmem>> -> memref<1x80x128xf32, #tpu.memory_space<vmem>>
    %dma_wait3A_203 = tpu.memref_squeeze %dma_wait3A_202 : memref<1x80x128xf32, #tpu.memory_space<vmem>> -> memref<80x128xf32, #tpu.memory_space<vmem>>
    %dma_wait3A_204 = arith.constant 160 : i32
    %dma_wait3A_205 = tpu.memref_slice %arg6[%dma_wait3A_204] : memref<10000xi32, #tpu.memory_space<vmem>> -> memref<80xi32, #tpu.memory_space<vmem>>
    %dma_wait3A_206 = arith.constant 0 : i32
    %dma_wait3A_207 = arith.constant 0 : i32
    %dma_wait3A_208 = tpu.memref_slice %arg8[%dma_wait3A_206, %dma_wait3A_207] : memref<10000x128xf32, #tpu.memory_space<vmem_shared>> -> memref<10000x128xf32, #tpu.memory_space<vmem_shared>>
    tpu.wait_indirect_dma semaphore(%arg15 : memref<!tpu.dma_semaphore, #tpu.memory_space<semaphore_mem>>) src(%dma_wait3A_203 : memref<80x128xf32, #tpu.memory_space<vmem>>) dst(%dma_wait3A_208 : memref<10000x128xf32, #tpu.memory_space<vmem_shared>>)
    %add3A_209 = arith.constant 480 : i32
    %add3A_210 = arith.addi %mul3A_2, %add3A_209 : i32
    %dma_start3A_211 = arith.constant 2 : i32
    %dma_start3A_212 = arith.constant 0 : i32
    %dma_start3A_213 = arith.constant 0 : i32
    %dma_start3A_214 = tpu.memref_slice %arg7[%dma_start3A_211, %dma_start3A_212, %dma_start3A_213] : memref<4x80x128xf32, #tpu.memory_space<vmem>> -> memref<1x80x128xf32, #tpu.memory_space<vmem>>
    %dma_start3A_215 = tpu.memref_squeeze %dma_start3A_214 : memref<1x80x128xf32, #tpu.memory_space<vmem>> -> memref<80x128xf32, #tpu.memory_space<vmem>>
    %dma_start3A_216 = arith.constant 0 : i32
    %dma_start3A_217 = tpu.memref_slice %arg2[%add3A_210, %dma_start3A_216] : memref<330000x128xf32, #tpu.memory_space<hbm>> -> memref<80x128xf32, #tpu.memory_space<hbm>>
    %dma_start3A_218 = arith.constant 0 : i32
    %dma_start3A_219 = arith.constant 0 : i32
    %dma_start3A_220 = tpu.memref_slice %arg7[%dma_start3A_211, %dma_start3A_218, %dma_start3A_219] : memref<4x80x128xf32, #tpu.memory_space<vmem>> -> memref<1x80x128xf32, #tpu.memory_space<vmem>>
    %dma_start3A_221 = tpu.memref_squeeze %dma_start3A_220 : memref<1x80x128xf32, #tpu.memory_space<vmem>> -> memref<80x128xf32, #tpu.memory_space<vmem>>
    %dma_start3A_222 = arith.constant 0 : i32
    %dma_start3A_223 = tpu.memref_slice %arg2[%add3A_210, %dma_start3A_222] : memref<330000x128xf32, #tpu.memory_space<hbm>> -> memref<80x128xf32, #tpu.memory_space<hbm>>
    tpu.enqueue_dma source(%dma_start3A_223 : memref<80x128xf32, #tpu.memory_space<hbm>>) target(%dma_start3A_221 : memref<80x128xf32, #tpu.memory_space<vmem>>) target_semaphore(%arg11 : memref<!tpu.dma_semaphore, #tpu.memory_space<semaphore_mem>>)
    %add3A_224 = arith.constant 240 : i32
    %add3A_225 = arith.addi %mul3A_2, %add3A_224 : i32
    %dma_wait3A_226 = arith.constant 3 : i32
    %dma_wait3A_227 = arith.constant 0 : i32
    %dma_wait3A_228 = arith.constant 0 : i32
    %dma_wait3A_229 = tpu.memref_slice %arg7[%dma_wait3A_226, %dma_wait3A_227, %dma_wait3A_228] : memref<4x80x128xf32, #tpu.memory_space<vmem>> -> memref<1x80x128xf32, #tpu.memory_space<vmem>>
    %dma_wait3A_230 = tpu.memref_squeeze %dma_wait3A_229 : memref<1x80x128xf32, #tpu.memory_space<vmem>> -> memref<80x128xf32, #tpu.memory_space<vmem>>
    %dma_wait3A_231 = arith.constant 0 : i32
    %dma_wait3A_232 = tpu.memref_slice %arg2[%add3A_225, %dma_wait3A_231] : memref<330000x128xf32, #tpu.memory_space<hbm>> -> memref<80x128xf32, #tpu.memory_space<hbm>>
    %dma_wait3A_233 = arith.constant 0 : i32
    %dma_wait3A_234 = arith.constant 0 : i32
    %dma_wait3A_235 = tpu.memref_slice %arg7[%dma_wait3A_226, %dma_wait3A_233, %dma_wait3A_234] : memref<4x80x128xf32, #tpu.memory_space<vmem>> -> memref<1x80x128xf32, #tpu.memory_space<vmem>>
    %dma_wait3A_236 = tpu.memref_squeeze %dma_wait3A_235 : memref<1x80x128xf32, #tpu.memory_space<vmem>> -> memref<80x128xf32, #tpu.memory_space<vmem>>
    %dma_wait3A_237 = arith.constant 0 : i32
    %dma_wait3A_238 = tpu.memref_slice %arg2[%add3A_225, %dma_wait3A_237] : memref<330000x128xf32, #tpu.memory_space<hbm>> -> memref<80x128xf32, #tpu.memory_space<hbm>>
    tpu.wait_dma2 semaphore(%arg12 : memref<!tpu.dma_semaphore, #tpu.memory_space<semaphore_mem>>) src(%dma_wait3A_238 : memref<80x128xf32, #tpu.memory_space<hbm>>) dst(%dma_wait3A_236 : memref<80x128xf32, #tpu.memory_space<vmem>>)
    %dma_start3A_239 = arith.constant 3 : i32
    %dma_start3A_240 = arith.constant 0 : i32
    %dma_start3A_241 = arith.constant 0 : i32
    %dma_start3A_242 = tpu.memref_slice %arg7[%dma_start3A_239, %dma_start3A_240, %dma_start3A_241] : memref<4x80x128xf32, #tpu.memory_space<vmem>> -> memref<1x80x128xf32, #tpu.memory_space<vmem>>
    %dma_start3A_243 = tpu.memref_squeeze %dma_start3A_242 : memref<1x80x128xf32, #tpu.memory_space<vmem>> -> memref<80x128xf32, #tpu.memory_space<vmem>>
    %dma_start3A_244 = arith.constant 240 : i32
    %dma_start3A_245 = tpu.memref_slice %arg6[%dma_start3A_244] : memref<10000xi32, #tpu.memory_space<vmem>> -> memref<80xi32, #tpu.memory_space<vmem>>
    %dma_start3A_246 = arith.constant 0 : i32
    %dma_start3A_247 = arith.constant 0 : i32
    %dma_start3A_248 = tpu.memref_slice %arg8[%dma_start3A_246, %dma_start3A_247] : memref<10000x128xf32, #tpu.memory_space<vmem_shared>> -> memref<10000x128xf32, #tpu.memory_space<vmem_shared>>
    tpu.enqueue_indirect_dma source(%dma_start3A_243 : memref<80x128xf32, #tpu.memory_space<vmem>>) target(%dma_start3A_248 : memref<10000x128xf32, #tpu.memory_space<vmem_shared>>) offsets(%dma_start3A_245 : memref<80xi32, #tpu.memory_space<vmem>>) semaphore(%arg16 : memref<!tpu.dma_semaphore, #tpu.memory_space<semaphore_mem>>) {add = true}
    %scan3A = arith.constant 0 : i32
    %scan3A_249 = arith.constant 1 : i32
    %scan3A_250 = arith.constant 29 : i32
    %scan3A_251 = arith.addi %scan3A_249, %scan3A_250 : i32
    %scan3A_252 = arith.constant 1 : i32
    scf.for %scan3A_477 = %scan3A_249 to %scan3A_251 step %scan3A_252  : i32 {
      %mul3A_478 = arith.constant 4 : i32
      %mul3A_479 = arith.muli %mul3A_478, %scan3A_477 : i32
      %add3A_480 = arith.constant 0 : i32
      %add3A_481 = arith.addi %mul3A_479, %add3A_480 : i32
      %sub3A = arith.constant 1 : i32
      %sub3A_482 = arith.subi %add3A_481, %sub3A : i32
      %mul3A_483 = arith.constant 80 : i32
      %mul3A_484 = arith.muli %sub3A_482, %mul3A_483 : i32
      %dma_wait3A_485 = arith.constant 3 : i32
      %dma_wait3A_486 = arith.constant 0 : i32
      %dma_wait3A_487 = arith.constant 0 : i32
      %dma_wait3A_488 = tpu.memref_slice %arg7[%dma_wait3A_485, %dma_wait3A_486, %dma_wait3A_487] : memref<4x80x128xf32, #tpu.memory_space<vmem>> -> memref<1x80x128xf32, #tpu.memory_space<vmem>>
      %dma_wait3A_489 = tpu.memref_squeeze %dma_wait3A_488 : memref<1x80x128xf32, #tpu.memory_space<vmem>> -> memref<80x128xf32, #tpu.memory_space<vmem>>
      %dma_wait3A_490 = tpu.memref_slice %arg6[%mul3A_484] : memref<10000xi32, #tpu.memory_space<vmem>> -> memref<80xi32, #tpu.memory_space<vmem>>
      %dma_wait3A_491 = arith.constant 0 : i32
      %dma_wait3A_492 = arith.constant 0 : i32
      %dma_wait3A_493 = tpu.memref_slice %arg8[%dma_wait3A_491, %dma_wait3A_492] : memref<10000x128xf32, #tpu.memory_space<vmem_shared>> -> memref<10000x128xf32, #tpu.memory_space<vmem_shared>>
      tpu.wait_indirect_dma semaphore(%arg16 : memref<!tpu.dma_semaphore, #tpu.memory_space<semaphore_mem>>) src(%dma_wait3A_489 : memref<80x128xf32, #tpu.memory_space<vmem>>) dst(%dma_wait3A_493 : memref<10000x128xf32, #tpu.memory_space<vmem_shared>>)
      %add3A_494 = arith.constant 3 : i32
      %add3A_495 = arith.addi %add3A_481, %add3A_494 : i32
      %mul3A_496 = arith.constant 80 : i32
      %mul3A_497 = arith.muli %add3A_495, %mul3A_496 : i32
      %add3A_498 = arith.addi %mul3A_2, %mul3A_497 : i32
      %dma_start3A_499 = arith.constant 3 : i32
      %dma_start3A_500 = arith.constant 0 : i32
      %dma_start3A_501 = arith.constant 0 : i32
      %dma_start3A_502 = tpu.memref_slice %arg7[%dma_start3A_499, %dma_start3A_500, %dma_start3A_501] : memref<4x80x128xf32, #tpu.memory_space<vmem>> -> memref<1x80x128xf32, #tpu.memory_space<vmem>>
      %dma_start3A_503 = tpu.memref_squeeze %dma_start3A_502 : memref<1x80x128xf32, #tpu.memory_space<vmem>> -> memref<80x128xf32, #tpu.memory_space<vmem>>
      %dma_start3A_504 = arith.constant 0 : i32
      %dma_start3A_505 = tpu.memref_slice %arg2[%add3A_498, %dma_start3A_504] : memref<330000x128xf32, #tpu.memory_space<hbm>> -> memref<80x128xf32, #tpu.memory_space<hbm>>
      %dma_start3A_506 = arith.constant 0 : i32
      %dma_start3A_507 = arith.constant 0 : i32
      %dma_start3A_508 = tpu.memref_slice %arg7[%dma_start3A_499, %dma_start3A_506, %dma_start3A_507] : memref<4x80x128xf32, #tpu.memory_space<vmem>> -> memref<1x80x128xf32, #tpu.memory_space<vmem>>
      %dma_start3A_509 = tpu.memref_squeeze %dma_start3A_508 : memref<1x80x128xf32, #tpu.memory_space<vmem>> -> memref<80x128xf32, #tpu.memory_space<vmem>>
      %dma_start3A_510 = arith.constant 0 : i32
      %dma_start3A_511 = tpu.memref_slice %arg2[%add3A_498, %dma_start3A_510] : memref<330000x128xf32, #tpu.memory_space<hbm>> -> memref<80x128xf32, #tpu.memory_space<hbm>>
      tpu.enqueue_dma source(%dma_start3A_511 : memref<80x128xf32, #tpu.memory_space<hbm>>) target(%dma_start3A_509 : memref<80x128xf32, #tpu.memory_space<vmem>>) target_semaphore(%arg12 : memref<!tpu.dma_semaphore, #tpu.memory_space<semaphore_mem>>)
      %mul3A_512 = arith.constant 80 : i32
      %mul3A_513 = arith.muli %add3A_481, %mul3A_512 : i32
      %add3A_514 = arith.addi %mul3A_2, %mul3A_513 : i32
      %dma_wait3A_515 = arith.constant 0 : i32
      %dma_wait3A_516 = arith.constant 0 : i32
      %dma_wait3A_517 = arith.constant 0 : i32
      %dma_wait3A_518 = tpu.memref_slice %arg7[%dma_wait3A_515, %dma_wait3A_516, %dma_wait3A_517] : memref<4x80x128xf32, #tpu.memory_space<vmem>> -> memref<1x80x128xf32, #tpu.memory_space<vmem>>
      %dma_wait3A_519 = tpu.memref_squeeze %dma_wait3A_518 : memref<1x80x128xf32, #tpu.memory_space<vmem>> -> memref<80x128xf32, #tpu.memory_space<vmem>>
      %dma_wait3A_520 = arith.constant 0 : i32
      %dma_wait3A_521 = tpu.memref_slice %arg2[%add3A_514, %dma_wait3A_520] : memref<330000x128xf32, #tpu.memory_space<hbm>> -> memref<80x128xf32, #tpu.memory_space<hbm>>
      %dma_wait3A_522 = arith.constant 0 : i32
      %dma_wait3A_523 = arith.constant 0 : i32
      %dma_wait3A_524 = tpu.memref_slice %arg7[%dma_wait3A_515, %dma_wait3A_522, %dma_wait3A_523] : memref<4x80x128xf32, #tpu.memory_space<vmem>> -> memref<1x80x128xf32, #tpu.memory_space<vmem>>
      %dma_wait3A_525 = tpu.memref_squeeze %dma_wait3A_524 : memref<1x80x128xf32, #tpu.memory_space<vmem>> -> memref<80x128xf32, #tpu.memory_space<vmem>>
      %dma_wait3A_526 = arith.constant 0 : i32
      %dma_wait3A_527 = tpu.memref_slice %arg2[%add3A_514, %dma_wait3A_526] : memref<330000x128xf32, #tpu.memory_space<hbm>> -> memref<80x128xf32, #tpu.memory_space<hbm>>
      tpu.wait_dma2 semaphore(%arg9 : memref<!tpu.dma_semaphore, #tpu.memory_space<semaphore_mem>>) src(%dma_wait3A_527 : memref<80x128xf32, #tpu.memory_space<hbm>>) dst(%dma_wait3A_525 : memref<80x128xf32, #tpu.memory_space<vmem>>)
      %mul3A_528 = arith.constant 80 : i32
      %mul3A_529 = arith.muli %add3A_481, %mul3A_528 : i32
      %dma_start3A_530 = arith.constant 0 : i32
      %dma_start3A_531 = arith.constant 0 : i32
      %dma_start3A_532 = arith.constant 0 : i32
      %dma_start3A_533 = tpu.memref_slice %arg7[%dma_start3A_530, %dma_start3A_531, %dma_start3A_532] : memref<4x80x128xf32, #tpu.memory_space<vmem>> -> memref<1x80x128xf32, #tpu.memory_space<vmem>>
      %dma_start3A_534 = tpu.memref_squeeze %dma_start3A_533 : memref<1x80x128xf32, #tpu.memory_space<vmem>> -> memref<80x128xf32, #tpu.memory_space<vmem>>
      %dma_start3A_535 = tpu.memref_slice %arg6[%mul3A_529] : memref<10000xi32, #tpu.memory_space<vmem>> -> memref<80xi32, #tpu.memory_space<vmem>>
      %dma_start3A_536 = arith.constant 0 : i32
      %dma_start3A_537 = arith.constant 0 : i32
      %dma_start3A_538 = tpu.memref_slice %arg8[%dma_start3A_536, %dma_start3A_537] : memref<10000x128xf32, #tpu.memory_space<vmem_shared>> -> memref<10000x128xf32, #tpu.memory_space<vmem_shared>>
      tpu.enqueue_indirect_dma source(%dma_start3A_534 : memref<80x128xf32, #tpu.memory_space<vmem>>) target(%dma_start3A_538 : memref<10000x128xf32, #tpu.memory_space<vmem_shared>>) offsets(%dma_start3A_535 : memref<80xi32, #tpu.memory_space<vmem>>) semaphore(%arg13 : memref<!tpu.dma_semaphore, #tpu.memory_space<semaphore_mem>>) {add = true}
      %mul3A_539 = arith.constant 4 : i32
      %mul3A_540 = arith.muli %mul3A_539, %scan3A_477 : i32
      %add3A_541 = arith.constant 1 : i32
      %add3A_542 = arith.addi %mul3A_540, %add3A_541 : i32
      %sub3A_543 = arith.constant 1 : i32
      %sub3A_544 = arith.subi %add3A_542, %sub3A_543 : i32
      %mul3A_545 = arith.constant 80 : i32
      %mul3A_546 = arith.muli %sub3A_544, %mul3A_545 : i32
      %dma_wait3A_547 = arith.constant 0 : i32
      %dma_wait3A_548 = arith.constant 0 : i32
      %dma_wait3A_549 = arith.constant 0 : i32
      %dma_wait3A_550 = tpu.memref_slice %arg7[%dma_wait3A_547, %dma_wait3A_548, %dma_wait3A_549] : memref<4x80x128xf32, #tpu.memory_space<vmem>> -> memref<1x80x128xf32, #tpu.memory_space<vmem>>
      %dma_wait3A_551 = tpu.memref_squeeze %dma_wait3A_550 : memref<1x80x128xf32, #tpu.memory_space<vmem>> -> memref<80x128xf32, #tpu.memory_space<vmem>>
      %dma_wait3A_552 = tpu.memref_slice %arg6[%mul3A_546] : memref<10000xi32, #tpu.memory_space<vmem>> -> memref<80xi32, #tpu.memory_space<vmem>>
      %dma_wait3A_553 = arith.constant 0 : i32
      %dma_wait3A_554 = arith.constant 0 : i32
      %dma_wait3A_555 = tpu.memref_slice %arg8[%dma_wait3A_553, %dma_wait3A_554] : memref<10000x128xf32, #tpu.memory_space<vmem_shared>> -> memref<10000x128xf32, #tpu.memory_space<vmem_shared>>
      tpu.wait_indirect_dma semaphore(%arg13 : memref<!tpu.dma_semaphore, #tpu.memory_space<semaphore_mem>>) src(%dma_wait3A_551 : memref<80x128xf32, #tpu.memory_space<vmem>>) dst(%dma_wait3A_555 : memref<10000x128xf32, #tpu.memory_space<vmem_shared>>)
      %add3A_556 = arith.constant 3 : i32
      %add3A_557 = arith.addi %add3A_542, %add3A_556 : i32
      %mul3A_558 = arith.constant 80 : i32
      %mul3A_559 = arith.muli %add3A_557, %mul3A_558 : i32
      %add3A_560 = arith.addi %mul3A_2, %mul3A_559 : i32
      %dma_start3A_561 = arith.constant 0 : i32
      %dma_start3A_562 = arith.constant 0 : i32
      %dma_start3A_563 = arith.constant 0 : i32
      %dma_start3A_564 = tpu.memref_slice %arg7[%dma_start3A_561, %dma_start3A_562, %dma_start3A_563] : memref<4x80x128xf32, #tpu.memory_space<vmem>> -> memref<1x80x128xf32, #tpu.memory_space<vmem>>
      %dma_start3A_565 = tpu.memref_squeeze %dma_start3A_564 : memref<1x80x128xf32, #tpu.memory_space<vmem>> -> memref<80x128xf32, #tpu.memory_space<vmem>>
      %dma_start3A_566 = arith.constant 0 : i32
      %dma_start3A_567 = tpu.memref_slice %arg2[%add3A_560, %dma_start3A_566] : memref<330000x128xf32, #tpu.memory_space<hbm>> -> memref<80x128xf32, #tpu.memory_space<hbm>>
      %dma_start3A_568 = arith.constant 0 : i32
      %dma_start3A_569 = arith.constant 0 : i32
      %dma_start3A_570 = tpu.memref_slice %arg7[%dma_start3A_561, %dma_start3A_568, %dma_start3A_569] : memref<4x80x128xf32, #tpu.memory_space<vmem>> -> memref<1x80x128xf32, #tpu.memory_space<vmem>>
      %dma_start3A_571 = tpu.memref_squeeze %dma_start3A_570 : memref<1x80x128xf32, #tpu.memory_space<vmem>> -> memref<80x128xf32, #tpu.memory_space<vmem>>
      %dma_start3A_572 = arith.constant 0 : i32
      %dma_start3A_573 = tpu.memref_slice %arg2[%add3A_560, %dma_start3A_572] : memref<330000x128xf32, #tpu.memory_space<hbm>> -> memref<80x128xf32, #tpu.memory_space<hbm>>
      tpu.enqueue_dma source(%dma_start3A_573 : memref<80x128xf32, #tpu.memory_space<hbm>>) target(%dma_start3A_571 : memref<80x128xf32, #tpu.memory_space<vmem>>) target_semaphore(%arg9 : memref<!tpu.dma_semaphore, #tpu.memory_space<semaphore_mem>>)
      %mul3A_574 = arith.constant 80 : i32
      %mul3A_575 = arith.muli %add3A_542, %mul3A_574 : i32
      %add3A_576 = arith.addi %mul3A_2, %mul3A_575 : i32
      %dma_wait3A_577 = arith.constant 1 : i32
      %dma_wait3A_578 = arith.constant 0 : i32
      %dma_wait3A_579 = arith.constant 0 : i32
      %dma_wait3A_580 = tpu.memref_slice %arg7[%dma_wait3A_577, %dma_wait3A_578, %dma_wait3A_579] : memref<4x80x128xf32, #tpu.memory_space<vmem>> -> memref<1x80x128xf32, #tpu.memory_space<vmem>>
      %dma_wait3A_581 = tpu.memref_squeeze %dma_wait3A_580 : memref<1x80x128xf32, #tpu.memory_space<vmem>> -> memref<80x128xf32, #tpu.memory_space<vmem>>
      %dma_wait3A_582 = arith.constant 0 : i32
      %dma_wait3A_583 = tpu.memref_slice %arg2[%add3A_576, %dma_wait3A_582] : memref<330000x128xf32, #tpu.memory_space<hbm>> -> memref<80x128xf32, #tpu.memory_space<hbm>>
      %dma_wait3A_584 = arith.constant 0 : i32
      %dma_wait3A_585 = arith.constant 0 : i32
      %dma_wait3A_586 = tpu.memref_slice %arg7[%dma_wait3A_577, %dma_wait3A_584, %dma_wait3A_585] : memref<4x80x128xf32, #tpu.memory_space<vmem>> -> memref<1x80x128xf32, #tpu.memory_space<vmem>>
      %dma_wait3A_587 = tpu.memref_squeeze %dma_wait3A_586 : memref<1x80x128xf32, #tpu.memory_space<vmem>> -> memref<80x128xf32, #tpu.memory_space<vmem>>
      %dma_wait3A_588 = arith.constant 0 : i32
      %dma_wait3A_589 = tpu.memref_slice %arg2[%add3A_576, %dma_wait3A_588] : memref<330000x128xf32, #tpu.memory_space<hbm>> -> memref<80x128xf32, #tpu.memory_space<hbm>>
      tpu.wait_dma2 semaphore(%arg10 : memref<!tpu.dma_semaphore, #tpu.memory_space<semaphore_mem>>) src(%dma_wait3A_589 : memref<80x128xf32, #tpu.memory_space<hbm>>) dst(%dma_wait3A_587 : memref<80x128xf32, #tpu.memory_space<vmem>>)
      %mul3A_590 = arith.constant 80 : i32
      %mul3A_591 = arith.muli %add3A_542, %mul3A_590 : i32
      %dma_start3A_592 = arith.constant 1 : i32
      %dma_start3A_593 = arith.constant 0 : i32
      %dma_start3A_594 = arith.constant 0 : i32
      %dma_start3A_595 = tpu.memref_slice %arg7[%dma_start3A_592, %dma_start3A_593, %dma_start3A_594] : memref<4x80x128xf32, #tpu.memory_space<vmem>> -> memref<1x80x128xf32, #tpu.memory_space<vmem>>
      %dma_start3A_596 = tpu.memref_squeeze %dma_start3A_595 : memref<1x80x128xf32, #tpu.memory_space<vmem>> -> memref<80x128xf32, #tpu.memory_space<vmem>>
      %dma_start3A_597 = tpu.memref_slice %arg6[%mul3A_591] : memref<10000xi32, #tpu.memory_space<vmem>> -> memref<80xi32, #tpu.memory_space<vmem>>
      %dma_start3A_598 = arith.constant 0 : i32
      %dma_start3A_599 = arith.constant 0 : i32
      %dma_start3A_600 = tpu.memref_slice %arg8[%dma_start3A_598, %dma_start3A_599] : memref<10000x128xf32, #tpu.memory_space<vmem_shared>> -> memref<10000x128xf32, #tpu.memory_space<vmem_shared>>
      tpu.enqueue_indirect_dma source(%dma_start3A_596 : memref<80x128xf32, #tpu.memory_space<vmem>>) target(%dma_start3A_600 : memref<10000x128xf32, #tpu.memory_space<vmem_shared>>) offsets(%dma_start3A_597 : memref<80xi32, #tpu.memory_space<vmem>>) semaphore(%arg14 : memref<!tpu.dma_semaphore, #tpu.memory_space<semaphore_mem>>) {add = true}
      %mul3A_601 = arith.constant 4 : i32
      %mul3A_602 = arith.muli %mul3A_601, %scan3A_477 : i32
      %add3A_603 = arith.constant 2 : i32
      %add3A_604 = arith.addi %mul3A_602, %add3A_603 : i32
      %sub3A_605 = arith.constant 1 : i32
      %sub3A_606 = arith.subi %add3A_604, %sub3A_605 : i32
      %mul3A_607 = arith.constant 80 : i32
      %mul3A_608 = arith.muli %sub3A_606, %mul3A_607 : i32
      %dma_wait3A_609 = arith.constant 1 : i32
      %dma_wait3A_610 = arith.constant 0 : i32
      %dma_wait3A_611 = arith.constant 0 : i32
      %dma_wait3A_612 = tpu.memref_slice %arg7[%dma_wait3A_609, %dma_wait3A_610, %dma_wait3A_611] : memref<4x80x128xf32, #tpu.memory_space<vmem>> -> memref<1x80x128xf32, #tpu.memory_space<vmem>>
      %dma_wait3A_613 = tpu.memref_squeeze %dma_wait3A_612 : memref<1x80x128xf32, #tpu.memory_space<vmem>> -> memref<80x128xf32, #tpu.memory_space<vmem>>
      %dma_wait3A_614 = tpu.memref_slice %arg6[%mul3A_608] : memref<10000xi32, #tpu.memory_space<vmem>> -> memref<80xi32, #tpu.memory_space<vmem>>
      %dma_wait3A_615 = arith.constant 0 : i32
      %dma_wait3A_616 = arith.constant 0 : i32
      %dma_wait3A_617 = tpu.memref_slice %arg8[%dma_wait3A_615, %dma_wait3A_616] : memref<10000x128xf32, #tpu.memory_space<vmem_shared>> -> memref<10000x128xf32, #tpu.memory_space<vmem_shared>>
      tpu.wait_indirect_dma semaphore(%arg14 : memref<!tpu.dma_semaphore, #tpu.memory_space<semaphore_mem>>) src(%dma_wait3A_613 : memref<80x128xf32, #tpu.memory_space<vmem>>) dst(%dma_wait3A_617 : memref<10000x128xf32, #tpu.memory_space<vmem_shared>>)
      %add3A_618 = arith.constant 3 : i32
      %add3A_619 = arith.addi %add3A_604, %add3A_618 : i32
      %mul3A_620 = arith.constant 80 : i32
      %mul3A_621 = arith.muli %add3A_619, %mul3A_620 : i32
      %add3A_622 = arith.addi %mul3A_2, %mul3A_621 : i32
      %dma_start3A_623 = arith.constant 1 : i32
      %dma_start3A_624 = arith.constant 0 : i32
      %dma_start3A_625 = arith.constant 0 : i32
      %dma_start3A_626 = tpu.memref_slice %arg7[%dma_start3A_623, %dma_start3A_624, %dma_start3A_625] : memref<4x80x128xf32, #tpu.memory_space<vmem>> -> memref<1x80x128xf32, #tpu.memory_space<vmem>>
      %dma_start3A_627 = tpu.memref_squeeze %dma_start3A_626 : memref<1x80x128xf32, #tpu.memory_space<vmem>> -> memref<80x128xf32, #tpu.memory_space<vmem>>
      %dma_start3A_628 = arith.constant 0 : i32
      %dma_start3A_629 = tpu.memref_slice %arg2[%add3A_622, %dma_start3A_628] : memref<330000x128xf32, #tpu.memory_space<hbm>> -> memref<80x128xf32, #tpu.memory_space<hbm>>
      %dma_start3A_630 = arith.constant 0 : i32
      %dma_start3A_631 = arith.constant 0 : i32
      %dma_start3A_632 = tpu.memref_slice %arg7[%dma_start3A_623, %dma_start3A_630, %dma_start3A_631] : memref<4x80x128xf32, #tpu.memory_space<vmem>> -> memref<1x80x128xf32, #tpu.memory_space<vmem>>
      %dma_start3A_633 = tpu.memref_squeeze %dma_start3A_632 : memref<1x80x128xf32, #tpu.memory_space<vmem>> -> memref<80x128xf32, #tpu.memory_space<vmem>>
      %dma_start3A_634 = arith.constant 0 : i32
      %dma_start3A_635 = tpu.memref_slice %arg2[%add3A_622, %dma_start3A_634] : memref<330000x128xf32, #tpu.memory_space<hbm>> -> memref<80x128xf32, #tpu.memory_space<hbm>>
      tpu.enqueue_dma source(%dma_start3A_635 : memref<80x128xf32, #tpu.memory_space<hbm>>) target(%dma_start3A_633 : memref<80x128xf32, #tpu.memory_space<vmem>>) target_semaphore(%arg10 : memref<!tpu.dma_semaphore, #tpu.memory_space<semaphore_mem>>)
      %mul3A_636 = arith.constant 80 : i32
      %mul3A_637 = arith.muli %add3A_604, %mul3A_636 : i32
      %add3A_638 = arith.addi %mul3A_2, %mul3A_637 : i32
      %dma_wait3A_639 = arith.constant 2 : i32
      %dma_wait3A_640 = arith.constant 0 : i32
      %dma_wait3A_641 = arith.constant 0 : i32
      %dma_wait3A_642 = tpu.memref_slice %arg7[%dma_wait3A_639, %dma_wait3A_640, %dma_wait3A_641] : memref<4x80x128xf32, #tpu.memory_space<vmem>> -> memref<1x80x128xf32, #tpu.memory_space<vmem>>
      %dma_wait3A_643 = tpu.memref_squeeze %dma_wait3A_642 : memref<1x80x128xf32, #tpu.memory_space<vmem>> -> memref<80x128xf32, #tpu.memory_space<vmem>>
      %dma_wait3A_644 = arith.constant 0 : i32
      %dma_wait3A_645 = tpu.memref_slice %arg2[%add3A_638, %dma_wait3A_644] : memref<330000x128xf32, #tpu.memory_space<hbm>> -> memref<80x128xf32, #tpu.memory_space<hbm>>
      %dma_wait3A_646 = arith.constant 0 : i32
      %dma_wait3A_647 = arith.constant 0 : i32
      %dma_wait3A_648 = tpu.memref_slice %arg7[%dma_wait3A_639, %dma_wait3A_646, %dma_wait3A_647] : memref<4x80x128xf32, #tpu.memory_space<vmem>> -> memref<1x80x128xf32, #tpu.memory_space<vmem>>
      %dma_wait3A_649 = tpu.memref_squeeze %dma_wait3A_648 : memref<1x80x128xf32, #tpu.memory_space<vmem>> -> memref<80x128xf32, #tpu.memory_space<vmem>>
      %dma_wait3A_650 = arith.constant 0 : i32
      %dma_wait3A_651 = tpu.memref_slice %arg2[%add3A_638, %dma_wait3A_650] : memref<330000x128xf32, #tpu.memory_space<hbm>> -> memref<80x128xf32, #tpu.memory_space<hbm>>
      tpu.wait_dma2 semaphore(%arg11 : memref<!tpu.dma_semaphore, #tpu.memory_space<semaphore_mem>>) src(%dma_wait3A_651 : memref<80x128xf32, #tpu.memory_space<hbm>>) dst(%dma_wait3A_649 : memref<80x128xf32, #tpu.memory_space<vmem>>)
      %mul3A_652 = arith.constant 80 : i32
      %mul3A_653 = arith.muli %add3A_604, %mul3A_652 : i32
      %dma_start3A_654 = arith.constant 2 : i32
      %dma_start3A_655 = arith.constant 0 : i32
      %dma_start3A_656 = arith.constant 0 : i32
      %dma_start3A_657 = tpu.memref_slice %arg7[%dma_start3A_654, %dma_start3A_655, %dma_start3A_656] : memref<4x80x128xf32, #tpu.memory_space<vmem>> -> memref<1x80x128xf32, #tpu.memory_space<vmem>>
      %dma_start3A_658 = tpu.memref_squeeze %dma_start3A_657 : memref<1x80x128xf32, #tpu.memory_space<vmem>> -> memref<80x128xf32, #tpu.memory_space<vmem>>
      %dma_start3A_659 = tpu.memref_slice %arg6[%mul3A_653] : memref<10000xi32, #tpu.memory_space<vmem>> -> memref<80xi32, #tpu.memory_space<vmem>>
      %dma_start3A_660 = arith.constant 0 : i32
      %dma_start3A_661 = arith.constant 0 : i32
      %dma_start3A_662 = tpu.memref_slice %arg8[%dma_start3A_660, %dma_start3A_661] : memref<10000x128xf32, #tpu.memory_space<vmem_shared>> -> memref<10000x128xf32, #tpu.memory_space<vmem_shared>>
      tpu.enqueue_indirect_dma source(%dma_start3A_658 : memref<80x128xf32, #tpu.memory_space<vmem>>) target(%dma_start3A_662 : memref<10000x128xf32, #tpu.memory_space<vmem_shared>>) offsets(%dma_start3A_659 : memref<80xi32, #tpu.memory_space<vmem>>) semaphore(%arg15 : memref<!tpu.dma_semaphore, #tpu.memory_space<semaphore_mem>>) {add = true}
      %mul3A_663 = arith.constant 4 : i32
      %mul3A_664 = arith.muli %mul3A_663, %scan3A_477 : i32
      %add3A_665 = arith.constant 3 : i32
      %add3A_666 = arith.addi %mul3A_664, %add3A_665 : i32
      %sub3A_667 = arith.constant 1 : i32
      %sub3A_668 = arith.subi %add3A_666, %sub3A_667 : i32
      %mul3A_669 = arith.constant 80 : i32
      %mul3A_670 = arith.muli %sub3A_668, %mul3A_669 : i32
      %dma_wait3A_671 = arith.constant 2 : i32
      %dma_wait3A_672 = arith.constant 0 : i32
      %dma_wait3A_673 = arith.constant 0 : i32
      %dma_wait3A_674 = tpu.memref_slice %arg7[%dma_wait3A_671, %dma_wait3A_672, %dma_wait3A_673] : memref<4x80x128xf32, #tpu.memory_space<vmem>> -> memref<1x80x128xf32, #tpu.memory_space<vmem>>
      %dma_wait3A_675 = tpu.memref_squeeze %dma_wait3A_674 : memref<1x80x128xf32, #tpu.memory_space<vmem>> -> memref<80x128xf32, #tpu.memory_space<vmem>>
      %dma_wait3A_676 = tpu.memref_slice %arg6[%mul3A_670] : memref<10000xi32, #tpu.memory_space<vmem>> -> memref<80xi32, #tpu.memory_space<vmem>>
      %dma_wait3A_677 = arith.constant 0 : i32
      %dma_wait3A_678 = arith.constant 0 : i32
      %dma_wait3A_679 = tpu.memref_slice %arg8[%dma_wait3A_677, %dma_wait3A_678] : memref<10000x128xf32, #tpu.memory_space<vmem_shared>> -> memref<10000x128xf32, #tpu.memory_space<vmem_shared>>
      tpu.wait_indirect_dma semaphore(%arg15 : memref<!tpu.dma_semaphore, #tpu.memory_space<semaphore_mem>>) src(%dma_wait3A_675 : memref<80x128xf32, #tpu.memory_space<vmem>>) dst(%dma_wait3A_679 : memref<10000x128xf32, #tpu.memory_space<vmem_shared>>)
      %add3A_680 = arith.constant 3 : i32
      %add3A_681 = arith.addi %add3A_666, %add3A_680 : i32
      %mul3A_682 = arith.constant 80 : i32
      %mul3A_683 = arith.muli %add3A_681, %mul3A_682 : i32
      %add3A_684 = arith.addi %mul3A_2, %mul3A_683 : i32
      %dma_start3A_685 = arith.constant 2 : i32
      %dma_start3A_686 = arith.constant 0 : i32
      %dma_start3A_687 = arith.constant 0 : i32
      %dma_start3A_688 = tpu.memref_slice %arg7[%dma_start3A_685, %dma_start3A_686, %dma_start3A_687] : memref<4x80x128xf32, #tpu.memory_space<vmem>> -> memref<1x80x128xf32, #tpu.memory_space<vmem>>
      %dma_start3A_689 = tpu.memref_squeeze %dma_start3A_688 : memref<1x80x128xf32, #tpu.memory_space<vmem>> -> memref<80x128xf32, #tpu.memory_space<vmem>>
      %dma_start3A_690 = arith.constant 0 : i32
      %dma_start3A_691 = tpu.memref_slice %arg2[%add3A_684, %dma_start3A_690] : memref<330000x128xf32, #tpu.memory_space<hbm>> -> memref<80x128xf32, #tpu.memory_space<hbm>>
      %dma_start3A_692 = arith.constant 0 : i32
      %dma_start3A_693 = arith.constant 0 : i32
      %dma_start3A_694 = tpu.memref_slice %arg7[%dma_start3A_685, %dma_start3A_692, %dma_start3A_693] : memref<4x80x128xf32, #tpu.memory_space<vmem>> -> memref<1x80x128xf32, #tpu.memory_space<vmem>>
      %dma_start3A_695 = tpu.memref_squeeze %dma_start3A_694 : memref<1x80x128xf32, #tpu.memory_space<vmem>> -> memref<80x128xf32, #tpu.memory_space<vmem>>
      %dma_start3A_696 = arith.constant 0 : i32
      %dma_start3A_697 = tpu.memref_slice %arg2[%add3A_684, %dma_start3A_696] : memref<330000x128xf32, #tpu.memory_space<hbm>> -> memref<80x128xf32, #tpu.memory_space<hbm>>
      tpu.enqueue_dma source(%dma_start3A_697 : memref<80x128xf32, #tpu.memory_space<hbm>>) target(%dma_start3A_695 : memref<80x128xf32, #tpu.memory_space<vmem>>) target_semaphore(%arg11 : memref<!tpu.dma_semaphore, #tpu.memory_space<semaphore_mem>>)
      %mul3A_698 = arith.constant 80 : i32
      %mul3A_699 = arith.muli %add3A_666, %mul3A_698 : i32
      %add3A_700 = arith.addi %mul3A_2, %mul3A_699 : i32
      %dma_wait3A_701 = arith.constant 3 : i32
      %dma_wait3A_702 = arith.constant 0 : i32
      %dma_wait3A_703 = arith.constant 0 : i32
      %dma_wait3A_704 = tpu.memref_slice %arg7[%dma_wait3A_701, %dma_wait3A_702, %dma_wait3A_703] : memref<4x80x128xf32, #tpu.memory_space<vmem>> -> memref<1x80x128xf32, #tpu.memory_space<vmem>>
      %dma_wait3A_705 = tpu.memref_squeeze %dma_wait3A_704 : memref<1x80x128xf32, #tpu.memory_space<vmem>> -> memref<80x128xf32, #tpu.memory_space<vmem>>
      %dma_wait3A_706 = arith.constant 0 : i32
      %dma_wait3A_707 = tpu.memref_slice %arg2[%add3A_700, %dma_wait3A_706] : memref<330000x128xf32, #tpu.memory_space<hbm>> -> memref<80x128xf32, #tpu.memory_space<hbm>>
      %dma_wait3A_708 = arith.constant 0 : i32
      %dma_wait3A_709 = arith.constant 0 : i32
      %dma_wait3A_710 = tpu.memref_slice %arg7[%dma_wait3A_701, %dma_wait3A_708, %dma_wait3A_709] : memref<4x80x128xf32, #tpu.memory_space<vmem>> -> memref<1x80x128xf32, #tpu.memory_space<vmem>>
      %dma_wait3A_711 = tpu.memref_squeeze %dma_wait3A_710 : memref<1x80x128xf32, #tpu.memory_space<vmem>> -> memref<80x128xf32, #tpu.memory_space<vmem>>
      %dma_wait3A_712 = arith.constant 0 : i32
      %dma_wait3A_713 = tpu.memref_slice %arg2[%add3A_700, %dma_wait3A_712] : memref<330000x128xf32, #tpu.memory_space<hbm>> -> memref<80x128xf32, #tpu.memory_space<hbm>>
      tpu.wait_dma2 semaphore(%arg12 : memref<!tpu.dma_semaphore, #tpu.memory_space<semaphore_mem>>) src(%dma_wait3A_713 : memref<80x128xf32, #tpu.memory_space<hbm>>) dst(%dma_wait3A_711 : memref<80x128xf32, #tpu.memory_space<vmem>>)
      %mul3A_714 = arith.constant 80 : i32
      %mul3A_715 = arith.muli %add3A_666, %mul3A_714 : i32
      %dma_start3A_716 = arith.constant 3 : i32
      %dma_start3A_717 = arith.constant 0 : i32
      %dma_start3A_718 = arith.constant 0 : i32
      %dma_start3A_719 = tpu.memref_slice %arg7[%dma_start3A_716, %dma_start3A_717, %dma_start3A_718] : memref<4x80x128xf32, #tpu.memory_space<vmem>> -> memref<1x80x128xf32, #tpu.memory_space<vmem>>
      %dma_start3A_720 = tpu.memref_squeeze %dma_start3A_719 : memref<1x80x128xf32, #tpu.memory_space<vmem>> -> memref<80x128xf32, #tpu.memory_space<vmem>>
      %dma_start3A_721 = tpu.memref_slice %arg6[%mul3A_715] : memref<10000xi32, #tpu.memory_space<vmem>> -> memref<80xi32, #tpu.memory_space<vmem>>
      %dma_start3A_722 = arith.constant 0 : i32
      %dma_start3A_723 = arith.constant 0 : i32
      %dma_start3A_724 = tpu.memref_slice %arg8[%dma_start3A_722, %dma_start3A_723] : memref<10000x128xf32, #tpu.memory_space<vmem_shared>> -> memref<10000x128xf32, #tpu.memory_space<vmem_shared>>
      tpu.enqueue_indirect_dma source(%dma_start3A_720 : memref<80x128xf32, #tpu.memory_space<vmem>>) target(%dma_start3A_724 : memref<10000x128xf32, #tpu.memory_space<vmem_shared>>) offsets(%dma_start3A_721 : memref<80xi32, #tpu.memory_space<vmem>>) semaphore(%arg16 : memref<!tpu.dma_semaphore, #tpu.memory_space<semaphore_mem>>) {add = true}
    }
    %scan3A_253 = arith.constant 29 : i32
    %dma_wait3A_254 = arith.constant 3 : i32
    %dma_wait3A_255 = arith.constant 0 : i32
    %dma_wait3A_256 = arith.constant 0 : i32
    %dma_wait3A_257 = tpu.memref_slice %arg7[%dma_wait3A_254, %dma_wait3A_255, %dma_wait3A_256] : memref<4x80x128xf32, #tpu.memory_space<vmem>> -> memref<1x80x128xf32, #tpu.memory_space<vmem>>
    %dma_wait3A_258 = tpu.memref_squeeze %dma_wait3A_257 : memref<1x80x128xf32, #tpu.memory_space<vmem>> -> memref<80x128xf32, #tpu.memory_space<vmem>>
    %dma_wait3A_259 = arith.constant 9520 : i32
    %dma_wait3A_260 = tpu.memref_slice %arg6[%dma_wait3A_259] : memref<10000xi32, #tpu.memory_space<vmem>> -> memref<80xi32, #tpu.memory_space<vmem>>
    %dma_wait3A_261 = arith.constant 0 : i32
    %dma_wait3A_262 = arith.constant 0 : i32
    %dma_wait3A_263 = tpu.memref_slice %arg8[%dma_wait3A_261, %dma_wait3A_262] : memref<10000x128xf32, #tpu.memory_space<vmem_shared>> -> memref<10000x128xf32, #tpu.memory_space<vmem_shared>>
    tpu.wait_indirect_dma semaphore(%arg16 : memref<!tpu.dma_semaphore, #tpu.memory_space<semaphore_mem>>) src(%dma_wait3A_258 : memref<80x128xf32, #tpu.memory_space<vmem>>) dst(%dma_wait3A_263 : memref<10000x128xf32, #tpu.memory_space<vmem_shared>>)
    %add3A_264 = arith.constant 9840 : i32
    %add3A_265 = arith.addi %mul3A_2, %add3A_264 : i32
    %dma_start3A_266 = arith.constant 3 : i32
    %dma_start3A_267 = arith.constant 0 : i32
    %dma_start3A_268 = arith.constant 0 : i32
    %dma_start3A_269 = tpu.memref_slice %arg7[%dma_start3A_266, %dma_start3A_267, %dma_start3A_268] : memref<4x80x128xf32, #tpu.memory_space<vmem>> -> memref<1x80x128xf32, #tpu.memory_space<vmem>>
    %dma_start3A_270 = tpu.memref_squeeze %dma_start3A_269 : memref<1x80x128xf32, #tpu.memory_space<vmem>> -> memref<80x128xf32, #tpu.memory_space<vmem>>
    %dma_start3A_271 = arith.constant 0 : i32
    %dma_start3A_272 = tpu.memref_slice %arg2[%add3A_265, %dma_start3A_271] : memref<330000x128xf32, #tpu.memory_space<hbm>> -> memref<80x128xf32, #tpu.memory_space<hbm>>
    %dma_start3A_273 = arith.constant 0 : i32
    %dma_start3A_274 = arith.constant 0 : i32
    %dma_start3A_275 = tpu.memref_slice %arg7[%dma_start3A_266, %dma_start3A_273, %dma_start3A_274] : memref<4x80x128xf32, #tpu.memory_space<vmem>> -> memref<1x80x128xf32, #tpu.memory_space<vmem>>
    %dma_start3A_276 = tpu.memref_squeeze %dma_start3A_275 : memref<1x80x128xf32, #tpu.memory_space<vmem>> -> memref<80x128xf32, #tpu.memory_space<vmem>>
    %dma_start3A_277 = arith.constant 0 : i32
    %dma_start3A_278 = tpu.memref_slice %arg2[%add3A_265, %dma_start3A_277] : memref<330000x128xf32, #tpu.memory_space<hbm>> -> memref<80x128xf32, #tpu.memory_space<hbm>>
    tpu.enqueue_dma source(%dma_start3A_278 : memref<80x128xf32, #tpu.memory_space<hbm>>) target(%dma_start3A_276 : memref<80x128xf32, #tpu.memory_space<vmem>>) target_semaphore(%arg12 : memref<!tpu.dma_semaphore, #tpu.memory_space<semaphore_mem>>)
    %add3A_279 = arith.constant 9600 : i32
    %add3A_280 = arith.addi %mul3A_2, %add3A_279 : i32
    %dma_wait3A_281 = arith.constant 0 : i32
    %dma_wait3A_282 = arith.constant 0 : i32
    %dma_wait3A_283 = arith.constant 0 : i32
    %dma_wait3A_284 = tpu.memref_slice %arg7[%dma_wait3A_281, %dma_wait3A_282, %dma_wait3A_283] : memref<4x80x128xf32, #tpu.memory_space<vmem>> -> memref<1x80x128xf32, #tpu.memory_space<vmem>>
    %dma_wait3A_285 = tpu.memref_squeeze %dma_wait3A_284 : memref<1x80x128xf32, #tpu.memory_space<vmem>> -> memref<80x128xf32, #tpu.memory_space<vmem>>
    %dma_wait3A_286 = arith.constant 0 : i32
    %dma_wait3A_287 = tpu.memref_slice %arg2[%add3A_280, %dma_wait3A_286] : memref<330000x128xf32, #tpu.memory_space<hbm>> -> memref<80x128xf32, #tpu.memory_space<hbm>>
    %dma_wait3A_288 = arith.constant 0 : i32
    %dma_wait3A_289 = arith.constant 0 : i32
    %dma_wait3A_290 = tpu.memref_slice %arg7[%dma_wait3A_281, %dma_wait3A_288, %dma_wait3A_289] : memref<4x80x128xf32, #tpu.memory_space<vmem>> -> memref<1x80x128xf32, #tpu.memory_space<vmem>>
    %dma_wait3A_291 = tpu.memref_squeeze %dma_wait3A_290 : memref<1x80x128xf32, #tpu.memory_space<vmem>> -> memref<80x128xf32, #tpu.memory_space<vmem>>
    %dma_wait3A_292 = arith.constant 0 : i32
    %dma_wait3A_293 = tpu.memref_slice %arg2[%add3A_280, %dma_wait3A_292] : memref<330000x128xf32, #tpu.memory_space<hbm>> -> memref<80x128xf32, #tpu.memory_space<hbm>>
    tpu.wait_dma2 semaphore(%arg9 : memref<!tpu.dma_semaphore, #tpu.memory_space<semaphore_mem>>) src(%dma_wait3A_293 : memref<80x128xf32, #tpu.memory_space<hbm>>) dst(%dma_wait3A_291 : memref<80x128xf32, #tpu.memory_space<vmem>>)
    %dma_start3A_294 = arith.constant 0 : i32
    %dma_start3A_295 = arith.constant 0 : i32
    %dma_start3A_296 = arith.constant 0 : i32
    %dma_start3A_297 = tpu.memref_slice %arg7[%dma_start3A_294, %dma_start3A_295, %dma_start3A_296] : memref<4x80x128xf32, #tpu.memory_space<vmem>> -> memref<1x80x128xf32, #tpu.memory_space<vmem>>
    %dma_start3A_298 = tpu.memref_squeeze %dma_start3A_297 : memref<1x80x128xf32, #tpu.memory_space<vmem>> -> memref<80x128xf32, #tpu.memory_space<vmem>>
    %dma_start3A_299 = arith.constant 9600 : i32
    %dma_start3A_300 = tpu.memref_slice %arg6[%dma_start3A_299] : memref<10000xi32, #tpu.memory_space<vmem>> -> memref<80xi32, #tpu.memory_space<vmem>>
    %dma_start3A_301 = arith.constant 0 : i32
    %dma_start3A_302 = arith.constant 0 : i32
    %dma_start3A_303 = tpu.memref_slice %arg8[%dma_start3A_301, %dma_start3A_302] : memref<10000x128xf32, #tpu.memory_space<vmem_shared>> -> memref<10000x128xf32, #tpu.memory_space<vmem_shared>>
    tpu.enqueue_indirect_dma source(%dma_start3A_298 : memref<80x128xf32, #tpu.memory_space<vmem>>) target(%dma_start3A_303 : memref<10000x128xf32, #tpu.memory_space<vmem_shared>>) offsets(%dma_start3A_300 : memref<80xi32, #tpu.memory_space<vmem>>) semaphore(%arg13 : memref<!tpu.dma_semaphore, #tpu.memory_space<semaphore_mem>>) {add = true}
    %dma_wait3A_304 = arith.constant 0 : i32
    %dma_wait3A_305 = arith.constant 0 : i32
    %dma_wait3A_306 = arith.constant 0 : i32
    %dma_wait3A_307 = tpu.memref_slice %arg7[%dma_wait3A_304, %dma_wait3A_305, %dma_wait3A_306] : memref<4x80x128xf32, #tpu.memory_space<vmem>> -> memref<1x80x128xf32, #tpu.memory_space<vmem>>
    %dma_wait3A_308 = tpu.memref_squeeze %dma_wait3A_307 : memref<1x80x128xf32, #tpu.memory_space<vmem>> -> memref<80x128xf32, #tpu.memory_space<vmem>>
    %dma_wait3A_309 = arith.constant 9600 : i32
    %dma_wait3A_310 = tpu.memref_slice %arg6[%dma_wait3A_309] : memref<10000xi32, #tpu.memory_space<vmem>> -> memref<80xi32, #tpu.memory_space<vmem>>
    %dma_wait3A_311 = arith.constant 0 : i32
    %dma_wait3A_312 = arith.constant 0 : i32
    %dma_wait3A_313 = tpu.memref_slice %arg8[%dma_wait3A_311, %dma_wait3A_312] : memref<10000x128xf32, #tpu.memory_space<vmem_shared>> -> memref<10000x128xf32, #tpu.memory_space<vmem_shared>>
    tpu.wait_indirect_dma semaphore(%arg13 : memref<!tpu.dma_semaphore, #tpu.memory_space<semaphore_mem>>) src(%dma_wait3A_308 : memref<80x128xf32, #tpu.memory_space<vmem>>) dst(%dma_wait3A_313 : memref<10000x128xf32, #tpu.memory_space<vmem_shared>>)
    %add3A_314 = arith.constant 9920 : i32
    %add3A_315 = arith.addi %mul3A_2, %add3A_314 : i32
    %dma_start3A_316 = arith.constant 0 : i32
    %dma_start3A_317 = arith.constant 0 : i32
    %dma_start3A_318 = arith.constant 0 : i32
    %dma_start3A_319 = tpu.memref_slice %arg7[%dma_start3A_316, %dma_start3A_317, %dma_start3A_318] : memref<4x80x128xf32, #tpu.memory_space<vmem>> -> memref<1x80x128xf32, #tpu.memory_space<vmem>>
    %dma_start3A_320 = tpu.memref_squeeze %dma_start3A_319 : memref<1x80x128xf32, #tpu.memory_space<vmem>> -> memref<80x128xf32, #tpu.memory_space<vmem>>
    %dma_start3A_321 = arith.constant 0 : i32
    %dma_start3A_322 = tpu.memref_slice %arg2[%add3A_315, %dma_start3A_321] : memref<330000x128xf32, #tpu.memory_space<hbm>> -> memref<80x128xf32, #tpu.memory_space<hbm>>
    %dma_start3A_323 = arith.constant 0 : i32
    %dma_start3A_324 = arith.constant 0 : i32
    %dma_start3A_325 = tpu.memref_slice %arg7[%dma_start3A_316, %dma_start3A_323, %dma_start3A_324] : memref<4x80x128xf32, #tpu.memory_space<vmem>> -> memref<1x80x128xf32, #tpu.memory_space<vmem>>
    %dma_start3A_326 = tpu.memref_squeeze %dma_start3A_325 : memref<1x80x128xf32, #tpu.memory_space<vmem>> -> memref<80x128xf32, #tpu.memory_space<vmem>>
    %dma_start3A_327 = arith.constant 0 : i32
    %dma_start3A_328 = tpu.memref_slice %arg2[%add3A_315, %dma_start3A_327] : memref<330000x128xf32, #tpu.memory_space<hbm>> -> memref<80x128xf32, #tpu.memory_space<hbm>>
    tpu.enqueue_dma source(%dma_start3A_328 : memref<80x128xf32, #tpu.memory_space<hbm>>) target(%dma_start3A_326 : memref<80x128xf32, #tpu.memory_space<vmem>>) target_semaphore(%arg9 : memref<!tpu.dma_semaphore, #tpu.memory_space<semaphore_mem>>)
    %add3A_329 = arith.constant 9680 : i32
    %add3A_330 = arith.addi %mul3A_2, %add3A_329 : i32
    %dma_wait3A_331 = arith.constant 1 : i32
    %dma_wait3A_332 = arith.constant 0 : i32
    %dma_wait3A_333 = arith.constant 0 : i32
    %dma_wait3A_334 = tpu.memref_slice %arg7[%dma_wait3A_331, %dma_wait3A_332, %dma_wait3A_333] : memref<4x80x128xf32, #tpu.memory_space<vmem>> -> memref<1x80x128xf32, #tpu.memory_space<vmem>>
    %dma_wait3A_335 = tpu.memref_squeeze %dma_wait3A_334 : memref<1x80x128xf32, #tpu.memory_space<vmem>> -> memref<80x128xf32, #tpu.memory_space<vmem>>
    %dma_wait3A_336 = arith.constant 0 : i32
    %dma_wait3A_337 = tpu.memref_slice %arg2[%add3A_330, %dma_wait3A_336] : memref<330000x128xf32, #tpu.memory_space<hbm>> -> memref<80x128xf32, #tpu.memory_space<hbm>>
    %dma_wait3A_338 = arith.constant 0 : i32
    %dma_wait3A_339 = arith.constant 0 : i32
    %dma_wait3A_340 = tpu.memref_slice %arg7[%dma_wait3A_331, %dma_wait3A_338, %dma_wait3A_339] : memref<4x80x128xf32, #tpu.memory_space<vmem>> -> memref<1x80x128xf32, #tpu.memory_space<vmem>>
    %dma_wait3A_341 = tpu.memref_squeeze %dma_wait3A_340 : memref<1x80x128xf32, #tpu.memory_space<vmem>> -> memref<80x128xf32, #tpu.memory_space<vmem>>
    %dma_wait3A_342 = arith.constant 0 : i32
    %dma_wait3A_343 = tpu.memref_slice %arg2[%add3A_330, %dma_wait3A_342] : memref<330000x128xf32, #tpu.memory_space<hbm>> -> memref<80x128xf32, #tpu.memory_space<hbm>>
    tpu.wait_dma2 semaphore(%arg10 : memref<!tpu.dma_semaphore, #tpu.memory_space<semaphore_mem>>) src(%dma_wait3A_343 : memref<80x128xf32, #tpu.memory_space<hbm>>) dst(%dma_wait3A_341 : memref<80x128xf32, #tpu.memory_space<vmem>>)
    %dma_start3A_344 = arith.constant 1 : i32
    %dma_start3A_345 = arith.constant 0 : i32
    %dma_start3A_346 = arith.constant 0 : i32
    %dma_start3A_347 = tpu.memref_slice %arg7[%dma_start3A_344, %dma_start3A_345, %dma_start3A_346] : memref<4x80x128xf32, #tpu.memory_space<vmem>> -> memref<1x80x128xf32, #tpu.memory_space<vmem>>
    %dma_start3A_348 = tpu.memref_squeeze %dma_start3A_347 : memref<1x80x128xf32, #tpu.memory_space<vmem>> -> memref<80x128xf32, #tpu.memory_space<vmem>>
    %dma_start3A_349 = arith.constant 9680 : i32
    %dma_start3A_350 = tpu.memref_slice %arg6[%dma_start3A_349] : memref<10000xi32, #tpu.memory_space<vmem>> -> memref<80xi32, #tpu.memory_space<vmem>>
    %dma_start3A_351 = arith.constant 0 : i32
    %dma_start3A_352 = arith.constant 0 : i32
    %dma_start3A_353 = tpu.memref_slice %arg8[%dma_start3A_351, %dma_start3A_352] : memref<10000x128xf32, #tpu.memory_space<vmem_shared>> -> memref<10000x128xf32, #tpu.memory_space<vmem_shared>>
    tpu.enqueue_indirect_dma source(%dma_start3A_348 : memref<80x128xf32, #tpu.memory_space<vmem>>) target(%dma_start3A_353 : memref<10000x128xf32, #tpu.memory_space<vmem_shared>>) offsets(%dma_start3A_350 : memref<80xi32, #tpu.memory_space<vmem>>) semaphore(%arg14 : memref<!tpu.dma_semaphore, #tpu.memory_space<semaphore_mem>>) {add = true}
    %dma_wait3A_354 = arith.constant 1 : i32
    %dma_wait3A_355 = arith.constant 0 : i32
    %dma_wait3A_356 = arith.constant 0 : i32
    %dma_wait3A_357 = tpu.memref_slice %arg7[%dma_wait3A_354, %dma_wait3A_355, %dma_wait3A_356] : memref<4x80x128xf32, #tpu.memory_space<vmem>> -> memref<1x80x128xf32, #tpu.memory_space<vmem>>
    %dma_wait3A_358 = tpu.memref_squeeze %dma_wait3A_357 : memref<1x80x128xf32, #tpu.memory_space<vmem>> -> memref<80x128xf32, #tpu.memory_space<vmem>>
    %dma_wait3A_359 = arith.constant 9680 : i32
    %dma_wait3A_360 = tpu.memref_slice %arg6[%dma_wait3A_359] : memref<10000xi32, #tpu.memory_space<vmem>> -> memref<80xi32, #tpu.memory_space<vmem>>
    %dma_wait3A_361 = arith.constant 0 : i32
    %dma_wait3A_362 = arith.constant 0 : i32
    %dma_wait3A_363 = tpu.memref_slice %arg8[%dma_wait3A_361, %dma_wait3A_362] : memref<10000x128xf32, #tpu.memory_space<vmem_shared>> -> memref<10000x128xf32, #tpu.memory_space<vmem_shared>>
    tpu.wait_indirect_dma semaphore(%arg14 : memref<!tpu.dma_semaphore, #tpu.memory_space<semaphore_mem>>) src(%dma_wait3A_358 : memref<80x128xf32, #tpu.memory_space<vmem>>) dst(%dma_wait3A_363 : memref<10000x128xf32, #tpu.memory_space<vmem_shared>>)
    %add3A_364 = arith.constant 9760 : i32
    %add3A_365 = arith.addi %mul3A_2, %add3A_364 : i32
    %dma_wait3A_366 = arith.constant 2 : i32
    %dma_wait3A_367 = arith.constant 0 : i32
    %dma_wait3A_368 = arith.constant 0 : i32
    %dma_wait3A_369 = tpu.memref_slice %arg7[%dma_wait3A_366, %dma_wait3A_367, %dma_wait3A_368] : memref<4x80x128xf32, #tpu.memory_space<vmem>> -> memref<1x80x128xf32, #tpu.memory_space<vmem>>
    %dma_wait3A_370 = tpu.memref_squeeze %dma_wait3A_369 : memref<1x80x128xf32, #tpu.memory_space<vmem>> -> memref<80x128xf32, #tpu.memory_space<vmem>>
    %dma_wait3A_371 = arith.constant 0 : i32
    %dma_wait3A_372 = tpu.memref_slice %arg2[%add3A_365, %dma_wait3A_371] : memref<330000x128xf32, #tpu.memory_space<hbm>> -> memref<80x128xf32, #tpu.memory_space<hbm>>
    %dma_wait3A_373 = arith.constant 0 : i32
    %dma_wait3A_374 = arith.constant 0 : i32
    %dma_wait3A_375 = tpu.memref_slice %arg7[%dma_wait3A_366, %dma_wait3A_373, %dma_wait3A_374] : memref<4x80x128xf32, #tpu.memory_space<vmem>> -> memref<1x80x128xf32, #tpu.memory_space<vmem>>
    %dma_wait3A_376 = tpu.memref_squeeze %dma_wait3A_375 : memref<1x80x128xf32, #tpu.memory_space<vmem>> -> memref<80x128xf32, #tpu.memory_space<vmem>>
    %dma_wait3A_377 = arith.constant 0 : i32
    %dma_wait3A_378 = tpu.memref_slice %arg2[%add3A_365, %dma_wait3A_377] : memref<330000x128xf32, #tpu.memory_space<hbm>> -> memref<80x128xf32, #tpu.memory_space<hbm>>
    tpu.wait_dma2 semaphore(%arg11 : memref<!tpu.dma_semaphore, #tpu.memory_space<semaphore_mem>>) src(%dma_wait3A_378 : memref<80x128xf32, #tpu.memory_space<hbm>>) dst(%dma_wait3A_376 : memref<80x128xf32, #tpu.memory_space<vmem>>)
    %dma_start3A_379 = arith.constant 2 : i32
    %dma_start3A_380 = arith.constant 0 : i32
    %dma_start3A_381 = arith.constant 0 : i32
    %dma_start3A_382 = tpu.memref_slice %arg7[%dma_start3A_379, %dma_start3A_380, %dma_start3A_381] : memref<4x80x128xf32, #tpu.memory_space<vmem>> -> memref<1x80x128xf32, #tpu.memory_space<vmem>>
    %dma_start3A_383 = tpu.memref_squeeze %dma_start3A_382 : memref<1x80x128xf32, #tpu.memory_space<vmem>> -> memref<80x128xf32, #tpu.memory_space<vmem>>
    %dma_start3A_384 = arith.constant 9760 : i32
    %dma_start3A_385 = tpu.memref_slice %arg6[%dma_start3A_384] : memref<10000xi32, #tpu.memory_space<vmem>> -> memref<80xi32, #tpu.memory_space<vmem>>
    %dma_start3A_386 = arith.constant 0 : i32
    %dma_start3A_387 = arith.constant 0 : i32
    %dma_start3A_388 = tpu.memref_slice %arg8[%dma_start3A_386, %dma_start3A_387] : memref<10000x128xf32, #tpu.memory_space<vmem_shared>> -> memref<10000x128xf32, #tpu.memory_space<vmem_shared>>
    tpu.enqueue_indirect_dma source(%dma_start3A_383 : memref<80x128xf32, #tpu.memory_space<vmem>>) target(%dma_start3A_388 : memref<10000x128xf32, #tpu.memory_space<vmem_shared>>) offsets(%dma_start3A_385 : memref<80xi32, #tpu.memory_space<vmem>>) semaphore(%arg15 : memref<!tpu.dma_semaphore, #tpu.memory_space<semaphore_mem>>) {add = true}
    %dma_wait3A_389 = arith.constant 2 : i32
    %dma_wait3A_390 = arith.constant 0 : i32
    %dma_wait3A_391 = arith.constant 0 : i32
    %dma_wait3A_392 = tpu.memref_slice %arg7[%dma_wait3A_389, %dma_wait3A_390, %dma_wait3A_391] : memref<4x80x128xf32, #tpu.memory_space<vmem>> -> memref<1x80x128xf32, #tpu.memory_space<vmem>>
    %dma_wait3A_393 = tpu.memref_squeeze %dma_wait3A_392 : memref<1x80x128xf32, #tpu.memory_space<vmem>> -> memref<80x128xf32, #tpu.memory_space<vmem>>
    %dma_wait3A_394 = arith.constant 9760 : i32
    %dma_wait3A_395 = tpu.memref_slice %arg6[%dma_wait3A_394] : memref<10000xi32, #tpu.memory_space<vmem>> -> memref<80xi32, #tpu.memory_space<vmem>>
    %dma_wait3A_396 = arith.constant 0 : i32
    %dma_wait3A_397 = arith.constant 0 : i32
    %dma_wait3A_398 = tpu.memref_slice %arg8[%dma_wait3A_396, %dma_wait3A_397] : memref<10000x128xf32, #tpu.memory_space<vmem_shared>> -> memref<10000x128xf32, #tpu.memory_space<vmem_shared>>
    tpu.wait_indirect_dma semaphore(%arg15 : memref<!tpu.dma_semaphore, #tpu.memory_space<semaphore_mem>>) src(%dma_wait3A_393 : memref<80x128xf32, #tpu.memory_space<vmem>>) dst(%dma_wait3A_398 : memref<10000x128xf32, #tpu.memory_space<vmem_shared>>)
    %add3A_399 = arith.constant 9840 : i32
    %add3A_400 = arith.addi %mul3A_2, %add3A_399 : i32
    %dma_wait3A_401 = arith.constant 3 : i32
    %dma_wait3A_402 = arith.constant 0 : i32
    %dma_wait3A_403 = arith.constant 0 : i32
    %dma_wait3A_404 = tpu.memref_slice %arg7[%dma_wait3A_401, %dma_wait3A_402, %dma_wait3A_403] : memref<4x80x128xf32, #tpu.memory_space<vmem>> -> memref<1x80x128xf32, #tpu.memory_space<vmem>>
    %dma_wait3A_405 = tpu.memref_squeeze %dma_wait3A_404 : memref<1x80x128xf32, #tpu.memory_space<vmem>> -> memref<80x128xf32, #tpu.memory_space<vmem>>
    %dma_wait3A_406 = arith.constant 0 : i32
    %dma_wait3A_407 = tpu.memref_slice %arg2[%add3A_400, %dma_wait3A_406] : memref<330000x128xf32, #tpu.memory_space<hbm>> -> memref<80x128xf32, #tpu.memory_space<hbm>>
    %dma_wait3A_408 = arith.constant 0 : i32
    %dma_wait3A_409 = arith.constant 0 : i32
    %dma_wait3A_410 = tpu.memref_slice %arg7[%dma_wait3A_401, %dma_wait3A_408, %dma_wait3A_409] : memref<4x80x128xf32, #tpu.memory_space<vmem>> -> memref<1x80x128xf32, #tpu.memory_space<vmem>>
    %dma_wait3A_411 = tpu.memref_squeeze %dma_wait3A_410 : memref<1x80x128xf32, #tpu.memory_space<vmem>> -> memref<80x128xf32, #tpu.memory_space<vmem>>
    %dma_wait3A_412 = arith.constant 0 : i32
    %dma_wait3A_413 = tpu.memref_slice %arg2[%add3A_400, %dma_wait3A_412] : memref<330000x128xf32, #tpu.memory_space<hbm>> -> memref<80x128xf32, #tpu.memory_space<hbm>>
    tpu.wait_dma2 semaphore(%arg12 : memref<!tpu.dma_semaphore, #tpu.memory_space<semaphore_mem>>) src(%dma_wait3A_413 : memref<80x128xf32, #tpu.memory_space<hbm>>) dst(%dma_wait3A_411 : memref<80x128xf32, #tpu.memory_space<vmem>>)
    %dma_start3A_414 = arith.constant 3 : i32
    %dma_start3A_415 = arith.constant 0 : i32
    %dma_start3A_416 = arith.constant 0 : i32
    %dma_start3A_417 = tpu.memref_slice %arg7[%dma_start3A_414, %dma_start3A_415, %dma_start3A_416] : memref<4x80x128xf32, #tpu.memory_space<vmem>> -> memref<1x80x128xf32, #tpu.memory_space<vmem>>
    %dma_start3A_418 = tpu.memref_squeeze %dma_start3A_417 : memref<1x80x128xf32, #tpu.memory_space<vmem>> -> memref<80x128xf32, #tpu.memory_space<vmem>>
    %dma_start3A_419 = arith.constant 9840 : i32
    %dma_start3A_420 = tpu.memref_slice %arg6[%dma_start3A_419] : memref<10000xi32, #tpu.memory_space<vmem>> -> memref<80xi32, #tpu.memory_space<vmem>>
    %dma_start3A_421 = arith.constant 0 : i32
    %dma_start3A_422 = arith.constant 0 : i32
    %dma_start3A_423 = tpu.memref_slice %arg8[%dma_start3A_421, %dma_start3A_422] : memref<10000x128xf32, #tpu.memory_space<vmem_shared>> -> memref<10000x128xf32, #tpu.memory_space<vmem_shared>>
    tpu.enqueue_indirect_dma source(%dma_start3A_418 : memref<80x128xf32, #tpu.memory_space<vmem>>) target(%dma_start3A_423 : memref<10000x128xf32, #tpu.memory_space<vmem_shared>>) offsets(%dma_start3A_420 : memref<80xi32, #tpu.memory_space<vmem>>) semaphore(%arg16 : memref<!tpu.dma_semaphore, #tpu.memory_space<semaphore_mem>>) {add = true}
    %dma_wait3A_424 = arith.constant 3 : i32
    %dma_wait3A_425 = arith.constant 0 : i32
    %dma_wait3A_426 = arith.constant 0 : i32
    %dma_wait3A_427 = tpu.memref_slice %arg7[%dma_wait3A_424, %dma_wait3A_425, %dma_wait3A_426] : memref<4x80x128xf32, #tpu.memory_space<vmem>> -> memref<1x80x128xf32, #tpu.memory_space<vmem>>
    %dma_wait3A_428 = tpu.memref_squeeze %dma_wait3A_427 : memref<1x80x128xf32, #tpu.memory_space<vmem>> -> memref<80x128xf32, #tpu.memory_space<vmem>>
    %dma_wait3A_429 = arith.constant 9840 : i32
    %dma_wait3A_430 = tpu.memref_slice %arg6[%dma_wait3A_429] : memref<10000xi32, #tpu.memory_space<vmem>> -> memref<80xi32, #tpu.memory_space<vmem>>
    %dma_wait3A_431 = arith.constant 0 : i32
    %dma_wait3A_432 = arith.constant 0 : i32
    %dma_wait3A_433 = tpu.memref_slice %arg8[%dma_wait3A_431, %dma_wait3A_432] : memref<10000x128xf32, #tpu.memory_space<vmem_shared>> -> memref<10000x128xf32, #tpu.memory_space<vmem_shared>>
    tpu.wait_indirect_dma semaphore(%arg16 : memref<!tpu.dma_semaphore, #tpu.memory_space<semaphore_mem>>) src(%dma_wait3A_428 : memref<80x128xf32, #tpu.memory_space<vmem>>) dst(%dma_wait3A_433 : memref<10000x128xf32, #tpu.memory_space<vmem_shared>>)
    %add3A_434 = arith.constant 9920 : i32
    %add3A_435 = arith.addi %mul3A_2, %add3A_434 : i32
    %dma_wait3A_436 = arith.constant 0 : i32
    %dma_wait3A_437 = arith.constant 0 : i32
    %dma_wait3A_438 = arith.constant 0 : i32
    %dma_wait3A_439 = tpu.memref_slice %arg7[%dma_wait3A_436, %dma_wait3A_437, %dma_wait3A_438] : memref<4x80x128xf32, #tpu.memory_space<vmem>> -> memref<1x80x128xf32, #tpu.memory_space<vmem>>
    %dma_wait3A_440 = tpu.memref_squeeze %dma_wait3A_439 : memref<1x80x128xf32, #tpu.memory_space<vmem>> -> memref<80x128xf32, #tpu.memory_space<vmem>>
    %dma_wait3A_441 = arith.constant 0 : i32
    %dma_wait3A_442 = tpu.memref_slice %arg2[%add3A_435, %dma_wait3A_441] : memref<330000x128xf32, #tpu.memory_space<hbm>> -> memref<80x128xf32, #tpu.memory_space<hbm>>
    %dma_wait3A_443 = arith.constant 0 : i32
    %dma_wait3A_444 = arith.constant 0 : i32
    %dma_wait3A_445 = tpu.memref_slice %arg7[%dma_wait3A_436, %dma_wait3A_443, %dma_wait3A_444] : memref<4x80x128xf32, #tpu.memory_space<vmem>> -> memref<1x80x128xf32, #tpu.memory_space<vmem>>
    %dma_wait3A_446 = tpu.memref_squeeze %dma_wait3A_445 : memref<1x80x128xf32, #tpu.memory_space<vmem>> -> memref<80x128xf32, #tpu.memory_space<vmem>>
    %dma_wait3A_447 = arith.constant 0 : i32
    %dma_wait3A_448 = tpu.memref_slice %arg2[%add3A_435, %dma_wait3A_447] : memref<330000x128xf32, #tpu.memory_space<hbm>> -> memref<80x128xf32, #tpu.memory_space<hbm>>
    tpu.wait_dma2 semaphore(%arg9 : memref<!tpu.dma_semaphore, #tpu.memory_space<semaphore_mem>>) src(%dma_wait3A_448 : memref<80x128xf32, #tpu.memory_space<hbm>>) dst(%dma_wait3A_446 : memref<80x128xf32, #tpu.memory_space<vmem>>)
    %dma_start3A_449 = arith.constant 0 : i32
    %dma_start3A_450 = arith.constant 0 : i32
    %dma_start3A_451 = arith.constant 0 : i32
    %dma_start3A_452 = tpu.memref_slice %arg7[%dma_start3A_449, %dma_start3A_450, %dma_start3A_451] : memref<4x80x128xf32, #tpu.memory_space<vmem>> -> memref<1x80x128xf32, #tpu.memory_space<vmem>>
    %dma_start3A_453 = tpu.memref_squeeze %dma_start3A_452 : memref<1x80x128xf32, #tpu.memory_space<vmem>> -> memref<80x128xf32, #tpu.memory_space<vmem>>
    %dma_start3A_454 = arith.constant 9920 : i32
    %dma_start3A_455 = tpu.memref_slice %arg6[%dma_start3A_454] : memref<10000xi32, #tpu.memory_space<vmem>> -> memref<80xi32, #tpu.memory_space<vmem>>
    %dma_start3A_456 = arith.constant 0 : i32
    %dma_start3A_457 = arith.constant 0 : i32
    %dma_start3A_458 = tpu.memref_slice %arg8[%dma_start3A_456, %dma_start3A_457] : memref<10000x128xf32, #tpu.memory_space<vmem_shared>> -> memref<10000x128xf32, #tpu.memory_space<vmem_shared>>
    tpu.enqueue_indirect_dma source(%dma_start3A_453 : memref<80x128xf32, #tpu.memory_space<vmem>>) target(%dma_start3A_458 : memref<10000x128xf32, #tpu.memory_space<vmem_shared>>) offsets(%dma_start3A_455 : memref<80xi32, #tpu.memory_space<vmem>>) semaphore(%arg13 : memref<!tpu.dma_semaphore, #tpu.memory_space<semaphore_mem>>) {add = true}
    %dma_wait3A_459 = arith.constant 0 : i32
    %dma_wait3A_460 = arith.constant 0 : i32
    %dma_wait3A_461 = arith.constant 0 : i32
    %dma_wait3A_462 = tpu.memref_slice %arg7[%dma_wait3A_459, %dma_wait3A_460, %dma_wait3A_461] : memref<4x80x128xf32, #tpu.memory_space<vmem>> -> memref<1x80x128xf32, #tpu.memory_space<vmem>>
    %dma_wait3A_463 = tpu.memref_squeeze %dma_wait3A_462 : memref<1x80x128xf32, #tpu.memory_space<vmem>> -> memref<80x128xf32, #tpu.memory_space<vmem>>
    %dma_wait3A_464 = arith.constant 9920 : i32
    %dma_wait3A_465 = tpu.memref_slice %arg6[%dma_wait3A_464] : memref<10000xi32, #tpu.memory_space<vmem>> -> memref<80xi32, #tpu.memory_space<vmem>>
    %dma_wait3A_466 = arith.constant 0 : i32
    %dma_wait3A_467 = arith.constant 0 : i32
    %dma_wait3A_468 = tpu.memref_slice %arg8[%dma_wait3A_466, %dma_wait3A_467] : memref<10000x128xf32, #tpu.memory_space<vmem_shared>> -> memref<10000x128xf32, #tpu.memory_space<vmem_shared>>
    tpu.wait_indirect_dma semaphore(%arg13 : memref<!tpu.dma_semaphore, #tpu.memory_space<semaphore_mem>>) src(%dma_wait3A_463 : memref<80x128xf32, #tpu.memory_space<vmem>>) dst(%dma_wait3A_468 : memref<10000x128xf32, #tpu.memory_space<vmem_shared>>)
    %barrier3A_469 = arith.constant 0 : index
    tpu.barrier barrier_id(%barrier3A_469)
    %mul3A_470 = arith.constant 624 : i32
    %mul3A_471 = arith.muli %arg1, %mul3A_470 : i32
    "tpu.region"() ({
      %run_scoped3A = tpu.sem_alloc : memref<!tpu.dma_semaphore, #tpu.memory_space<semaphore_mem>>
      %dma_start3A_477 = arith.constant 0 : i32
      %dma_start3A_478 = tpu.memref_slice %arg5[%arg0, %mul3A_471, %dma_start3A_477] : memref<2x10000x128xf32, #tpu.memory_space<hbm>> -> memref<1x624x128xf32, #tpu.memory_space<hbm>>
      %dma_start3A_479 = tpu.memref_squeeze %dma_start3A_478 : memref<1x624x128xf32, #tpu.memory_space<hbm>> -> memref<624x128xf32, #tpu.memory_space<hbm>>
      %dma_start3A_480 = arith.constant 0 : i32
      %dma_start3A_481 = tpu.memref_slice %arg8[%mul3A_471, %dma_start3A_480] : memref<10000x128xf32, #tpu.memory_space<vmem_shared>> -> memref<624x128xf32, #tpu.memory_space<vmem_shared>>
      tpu.enqueue_dma source(%dma_start3A_481 : memref<624x128xf32, #tpu.memory_space<vmem_shared>>) target(%dma_start3A_479 : memref<624x128xf32, #tpu.memory_space<hbm>>) target_semaphore(%run_scoped3A : memref<!tpu.dma_semaphore, #tpu.memory_space<semaphore_mem>>)
      %dma_wait3A_482 = arith.constant 0 : i32
      %dma_wait3A_483 = tpu.memref_slice %arg5[%arg0, %mul3A_471, %dma_wait3A_482] : memref<2x10000x128xf32, #tpu.memory_space<hbm>> -> memref<1x624x128xf32, #tpu.memory_space<hbm>>
      %dma_wait3A_484 = tpu.memref_squeeze %dma_wait3A_483 : memref<1x624x128xf32, #tpu.memory_space<hbm>> -> memref<624x128xf32, #tpu.memory_space<hbm>>
      %dma_wait3A_485 = arith.constant 0 : i32
      %dma_wait3A_486 = tpu.memref_slice %arg8[%mul3A_471, %dma_wait3A_485] : memref<10000x128xf32, #tpu.memory_space<vmem_shared>> -> memref<624x128xf32, #tpu.memory_space<vmem_shared>>
      tpu.wait_dma2 semaphore(%run_scoped3A : memref<!tpu.dma_semaphore, #tpu.memory_space<semaphore_mem>>) src(%dma_wait3A_486 : memref<624x128xf32, #tpu.memory_space<vmem_shared>>) dst(%dma_wait3A_484 : memref<624x128xf32, #tpu.memory_space<hbm>>)
      tpu.yield
    }) : () -> ()
    %eq3A_472 = arith.constant 15 : i32
    %eq3A_473 = arith.cmpi eq, %arg1, %eq3A_472 : i32
    %convert_element_type3A_474 = arith.extui %eq3A_473 : i1 to i32
    %cond3A_475 = arith.constant 0 : i32
    %cond3A_476 = arith.cmpi ne, %convert_element_type3A_474, %cond3A_475 : i32
    scf.if %cond3A_476 {
      "tpu.region"() ({
        %run_scoped3A = tpu.sem_alloc : memref<!tpu.dma_semaphore, #tpu.memory_space<semaphore_mem>>
        %dma_start3A_477 = arith.constant 9984 : i32
        %dma_start3A_478 = arith.constant 0 : i32
        %dma_start3A_479 = tpu.memref_slice %arg5[%arg0, %dma_start3A_477, %dma_start3A_478] : memref<2x10000x128xf32, #tpu.memory_space<hbm>> -> memref<1x16x128xf32, #tpu.memory_space<hbm>>
        %dma_start3A_480 = tpu.memref_squeeze %dma_start3A_479 : memref<1x16x128xf32, #tpu.memory_space<hbm>> -> memref<16x128xf32, #tpu.memory_space<hbm>>
        %dma_start3A_481 = arith.constant 9984 : i32
        %dma_start3A_482 = arith.constant 0 : i32
        %dma_start3A_483 = tpu.memref_slice %arg8[%dma_start3A_481, %dma_start3A_482] : memref<10000x128xf32, #tpu.memory_space<vmem_shared>> -> memref<16x128xf32, #tpu.memory_space<vmem_shared>>
        tpu.enqueue_dma source(%dma_start3A_483 : memref<16x128xf32, #tpu.memory_space<vmem_shared>>) target(%dma_start3A_480 : memref<16x128xf32, #tpu.memory_space<hbm>>) target_semaphore(%run_scoped3A : memref<!tpu.dma_semaphore, #tpu.memory_space<semaphore_mem>>)
        %dma_wait3A_484 = arith.constant 9984 : i32
        %dma_wait3A_485 = arith.constant 0 : i32
        %dma_wait3A_486 = tpu.memref_slice %arg5[%arg0, %dma_wait3A_484, %dma_wait3A_485] : memref<2x10000x128xf32, #tpu.memory_space<hbm>> -> memref<1x16x128xf32, #tpu.memory_space<hbm>>
        %dma_wait3A_487 = tpu.memref_squeeze %dma_wait3A_486 : memref<1x16x128xf32, #tpu.memory_space<hbm>> -> memref<16x128xf32, #tpu.memory_space<hbm>>
        %dma_wait3A_488 = arith.constant 9984 : i32
        %dma_wait3A_489 = arith.constant 0 : i32
        %dma_wait3A_490 = tpu.memref_slice %arg8[%dma_wait3A_488, %dma_wait3A_489] : memref<10000x128xf32, #tpu.memory_space<vmem_shared>> -> memref<16x128xf32, #tpu.memory_space<vmem_shared>>
        tpu.wait_dma2 semaphore(%run_scoped3A : memref<!tpu.dma_semaphore, #tpu.memory_space<semaphore_mem>>) src(%dma_wait3A_490 : memref<16x128xf32, #tpu.memory_space<vmem_shared>>) dst(%dma_wait3A_487 : memref<16x128xf32, #tpu.memory_space<hbm>>)
        tpu.yield
      }) : () -> ()
    } else {
    }
    return
  }
}

module attributes {stable_mosaic.version = 14 : i64} {
  func.func @body(%arg0: i32, %arg1: memref<2x5000x128xf32, #tpu.memory_space<vmem>>, %arg2: memref<5000x128xf32, #tpu.memory_space<vmem>>) attributes {dimension_semantics = [#tpu.dimension_semantics<arbitrary>], iteration_bounds = array<i64: 2>, scalar_prefetch = 0 : i64, scratch_operands = 0 : i64, tpu.core_type = #tpu.core_type<tc>, window_params = [{transform_indices = @transform_0, window_bounds = array<i64: 2, 5000, 128>}, {transform_indices = @transform_1, window_bounds = array<i64: 5000, 128>}]} {
    %get3A = arith.constant 0 : index
    %get3A_0 = arith.constant 0 : index
    %get3A_1 = arith.constant 0 : index
    %get3A_2 = vector.load %arg1[%get3A, %get3A_0, %get3A_1] : memref<2x5000x128xf32, #tpu.memory_space<vmem>>, vector<1x5000x128xf32>
    %get3A_3 = vector.shape_cast %get3A_2 : vector<1x5000x128xf32> to vector<5000x128xf32>
    %get3A_4 = arith.constant 1 : index
    %get3A_5 = arith.constant 0 : index
    %get3A_6 = arith.constant 0 : index
    %get3A_7 = vector.load %arg1[%get3A_4, %get3A_5, %get3A_6] : memref<2x5000x128xf32, #tpu.memory_space<vmem>>, vector<1x5000x128xf32>
    %get3A_8 = vector.shape_cast %get3A_7 : vector<1x5000x128xf32> to vector<5000x128xf32>
    %add3A = arith.addf %get3A_3, %get3A_8 : vector<5000x128xf32>
    %swap3A = arith.constant 0 : index
    %swap3A_9 = arith.constant 0 : index
    %swap3A_10 = vector.load %arg2[%swap3A, %swap3A_9] : memref<5000x128xf32, #tpu.memory_space<vmem>>, vector<5000x128xf32>
    tpu.vector_store %arg2[%swap3A, %swap3A_9], %add3A {strides = array<i32>} : memref<5000x128xf32, #tpu.memory_space<vmem>>, vector<5000x128xf32>,
    return
  }
  func.func @transform_0(%arg0: i32) -> (i32, i32, i32) {
    %c0_i32 = arith.constant 0 : i32
    %c0_i32_0 = arith.constant 0 : i32
    %c0_i32_1 = arith.constant 0 : i32
    return %c0_i32, %arg0, %c0_i32_0 : i32, i32, i32
  }
  func.func @transform_1(%arg0: i32) -> (i32, i32) {
    %c0_i32 = arith.constant 0 : i32
    %c0_i32_0 = arith.constant 0 : i32
    return %arg0, %c0_i32 : i32, i32
  }
}

</mosaic_0001>

<sc_bundles>
// kernel: kernel.4.cloned.1.call-start
scs
__scs_entry_jumppad:
0x0: {  	(pc) =	sbr.rel $0x88, $3  }
0x1: {  	(tag) =	ssettag $0x0;
	lr =	simm.s32 $0x1  }
0x2: {  	[smem:$0x3F9F] =	sst lr;
	_ =	strace $0xD0000000  }
0x3: {  	_ = 	snop  }
0x4: {  	_ = 	snop  }
0x5: {  	_ = 	snop  }
0x6: {  	_ = 	snop  }
0x7: {  	_ = 	snop  }
__scs_overlays_trampoline_lowered:
0x8: {  	[smem:$0x3FAE] =	sst s0  }
0x9: {  	[smem:$0x3FAF] =	sst s1  }
0xa: {  	[smem:$0x3FB0] =	sst s2  }
0xb: {  	[smem:$0x3FB1] =	sst s3  }
0xc: {  	[smem:$0x3FB2] =	sst s4  }
0xd: {  	[smem:$0x3FB3] =	sst s5  }
0xe: {  	[smem:$0x3FB4] =	sst s6  }
0xf: {  	[smem:$0x3FB5] =	sst s7  }
0x10: {  	[smem:$0x3FB6] =	sst s8  }
0x11: {  	[smem:$0x3FB7] =	sst s9;
	s0 =	simm.s32 @!p0 $0x0  }
0x12: {  	s1 =	sld [smem:$0x3F9D];
	s0 =	simm.s32 @p0 $0x1  }
0x13: {  	[smem:$0x3FB8] =	sst s0;
	s0 =	simm.s32 @!p1 $0x0  }
0x14: {  	s2 =	sld [smem:$0x3F9C];
	s0 =	simm.s32 @p1 $0x1  }
0x15: {  	[smem:$0x3FB9] =	sst s0;
	s0 =	simm.s32 @!p2 $0x0  }
0x16: {  	s3 =	sld [smem:$0x3FDB];
	s0 =	simm.s32 @p2 $0x1  }
0x17: {  	s4 =	simm.s32 $0x1BF5;
	[smem:$0x3FBB] =	sst s0  }
0x18: {  	s0 =	sld [smem:$0x3F9E];
	_ =	swait.ge [sflag:s4], $0x0  }
0x19: {  	s7 =	sld [smem:$0x3F9F]  }
0x1a: {  	s8 =	sadd.s32 $0xFFFFE003, lr  }
0x1b: {  	s9 =	sadd.s32 $0xFFFFFEF7, lr;
	s5 =	simm.s32 $0xFFFFFFFF;
	p2 =	slt.u32 s8, $0xFFFFF086  }
0x1c: {  	p1 =	slt.u32 s9, $0xF7A;
	s5 =	simm.s32 @!p2 $0x0  }
0x1d: {  	s5 =	simm.s32 @p1 $0x1;
	p0 =	seq.s32 s7, s2  }
0x1e: {  	s7 =	smul.u32 @!p0 $0xF7A, s2;
	p2 =	seq.s32 @!p0 s5, $0x0  }
0x1f: {  	s9 =	smul.u32 $0xF7A, s1;
	s8 =	simm.s32 @!p0 $0x1BF5;
	p2 =	por !p2, p0  }
0x20: {  	[sflag:s8] =	ssyncset.s32 @!p0 $0xFFFFF086;
	s6 =	sadd.s32 @!p0 s3, s7;
	s7 =	simm.s32 @!p0 $0x108  }
0x21: {  	s3 =	sadd.s32 s3, s9;
	s6 =	sadd.s32 @!p0 $0x88, s6;
	s7 =	simm.s32 @p2 $0x1082  }
0x22: {  	[simem:s7], [sflag:s8] =	dma.local @!p0 [hbm:s6], $0xF7A  }
0x23: {  	s9 =	sor.u32 $0xD0000000, s2;
	s6 =	simm.s32 $0x108;
	_ =	swait.ge @!p0 [sflag:s8], $0x0  }
0x24: {  	s3 =	sadd.s32 $0x88, s3;
	s6 =	simm.s32 @!p1 $0x1082;
	[sflag:s4] =	ssyncset.s32 $0xFFFFF086  }
0x25: {  	[simem:s6], [sflag:s4] =	dma.local [hbm:s3], $0xF7A  }
0x26: {  	[smem:$0x3F9F] =	sst s1;
	(tag) =	ssettag s2;
	_ =	strace s9  }
0x27: {  	s1 =	sld [smem:$0x3FAF]  }
0x28: {  	s2 =	sld [smem:$0x3FB0]  }
0x29: {  	s4 =	sld [smem:$0x3FB2]  }
0x2a: {  	p0 =	seq.s32 s5, $0x0;
	s5 =	sld [smem:$0x3FB3]  }
0x2b: {  	s6 =	sld [smem:$0x3FB4]  }
0x2c: {  	s7 =	sld [smem:$0x3FB5]  }
0x2d: {  	s3 =	simm.s32 $0x108;
	s8 =	sld [smem:$0x3FB6]  }
0x2e: {  	s3 =	simm.s32 @!p0 $0x1082;
	s9 =	sld [smem:$0x3FB7]  }
0x2f: {  	lr =	sadd.s32 s0, s3;
	s0 =	sld [smem:$0x3FAE]  }
0x30: {  	s3 =	sld [smem:$0x3FB1]  }
0x31: {  	[smem:$0x3FBA] =	sst s10  }
0x32: {  	s10 =	sld [smem:$0x3FB8];
	_ =	sdelay $0x3  }
0x33: {  	p0 =	seq.s32 s10, $0x1;
	s10 =	sld [smem:$0x3FBA];
	_ =	sdelay $0x3  }
0x34: {  	[smem:$0x3FBA] =	sst s10  }
0x35: {  	s10 =	sld [smem:$0x3FB9];
	_ =	sdelay $0x3  }
0x36: {  	p1 =	seq.s32 s10, $0x1;
	s10 =	sld [smem:$0x3FBA];
	_ =	sdelay $0x3  }
0x37: {  	[smem:$0x3FBA] =	sst s10  }
0x38: {  	s10 =	sld [smem:$0x3FBB]  }
0x39: {  	_ = 	snop;
	(pc) =	sbr.ind lr, $3  }
0x3a: {  	_ = 	snop  }
0x3b: {  	_ = 	snop  }
0x3c: {  	p2 =	seq.s32 s10, $0x1;
	s10 =	sld [smem:$0x3FBA]  }
0x3d: {  	_ =	shalt  }
0x3e: {  	_ =	shalt  }
0x3f: {  	_ =	shalt  }
0x40: {  	_ =	shalt  }
0x41: {  	_ =	shalt  }
0x42: {  	_ =	shalt  }
0x43: {  	_ =	shalt  }
0x44: {  	_ =	shalt  }
0x45: {  	_ =	shalt  }
0x46: {  	_ =	shalt  }
0x47: {  	_ =	shalt  }
0x48: {  	_ =	shalt  }
0x49: {  	_ =	shalt  }
0x4a: {  	_ =	shalt  }
0x4b: {  	_ =	shalt  }
0x4c: {  	_ =	shalt  }
0x4d: {  	_ =	shalt  }
0x4e: {  	_ =	shalt  }
0x4f: {  	_ =	shalt  }
0x50: {  	_ =	shalt  }
0x51: {  	_ =	shalt  }
0x52: {  	_ =	shalt  }
0x53: {  	_ =	shalt  }
0x54: {  	_ =	shalt  }
0x55: {  	_ =	shalt  }
0x56: {  	_ =	shalt  }
0x57: {  	_ =	shalt  }
0x58: {  	_ =	shalt  }
0x59: {  	_ =	shalt  }
0x5a: {  	_ =	shalt  }
0x5b: {  	_ =	shalt  }
0x5c: {  	_ =	shalt  }
0x5d: {  	_ =	shalt  }
0x5e: {  	_ =	shalt  }
0x5f: {  	_ =	shalt  }
0x60: {  	_ =	shalt  }
0x61: {  	_ =	shalt  }
0x62: {  	_ =	shalt  }
0x63: {  	_ =	shalt  }
0x64: {  	_ =	shalt  }
0x65: {  	_ =	shalt  }
0x66: {  	_ =	shalt  }
0x67: {  	_ =	shalt  }
0x68: {  	_ =	shalt  }
0x69: {  	_ =	shalt  }
0x6a: {  	_ =	shalt  }
0x6b: {  	_ =	shalt  }
0x6c: {  	_ =	shalt  }
0x6d: {  	_ =	shalt  }
0x6e: {  	_ =	shalt  }
0x6f: {  	_ =	shalt  }
0x70: {  	_ =	shalt  }
0x71: {  	_ =	shalt  }
0x72: {  	_ =	shalt  }
0x73: {  	_ =	shalt  }
0x74: {  	_ =	shalt  }
0x75: {  	_ =	shalt  }
0x76: {  	_ =	shalt  }
0x77: {  	_ =	shalt  }
0x78: {  	_ =	shalt  }
0x79: {  	_ =	shalt  }
0x7a: {  	_ =	shalt  }
0x7b: {  	_ =	shalt  }
0x7c: {  	_ =	shalt  }
0x7d: {  	_ =	shalt  }
0x7e: {  	_ =	shalt  }
0x7f: {  	_ =	shalt  }
0x80: {  	_ =	shalt  }
0x81: {  	_ =	shalt  }
0x82: {  	_ =	shalt  }
0x83: {  	_ =	shalt  }
0x84: {  	_ =	shalt  }
0x85: {  	_ =	shalt  }
0x86: {  	_ =	shalt  }
0x87: {  	_ =	shalt  }
.Lfunc_end0:
.L_simem_size_0:
called_computation_lowered:
.L_overlay_start_0:
0x88: {  	s2 =	sld [smem:$0x3FD9]  }
0x89: {  	s3 =	sld [smem:$0x3FFE];
	_ =	sdelay $0x1  }
0x8a: {  	s1 =	srdreg.scid  }
0x8b: {  	s0 =	sand.u32 $0x1, s1  }
0x8c: {  	s17 =	sshll.u32 s0, $0xA;
	s2 =	sadd.s32 s3, s2  }
0x8d: {  	s2 =	sadd.s32 s2, s17  }
0x8e: {  	[smem:$0x3FC6] =	sst s2  }
0x8f: {  	_ = 	snop  }
0x90: {  	s2 =	sld [smem:$0x3FC9]  }
0x91: {  	s18 =	sld [smem:$0x3FC8]  }
0x92: {  	s4 =	sld [smem:$0x3FD0];
	(tm) =	ssettm $0x1  }
0x93: {  	s5 =	sld [smem:$0x3FFB];
	_ =	sdelay $0x3  }
0x94: {  	_ =	strace s5  }
0x95: {  	s5 =	sld [smem:$0x3FFC];
	_ =	sdelay $0x3  }
0x96: {  	_ =	strace s5  }
0x97: {  	s5 =	sld [smem:$0x3FFD];
	_ =	sdelay $0x3  }
0x98: {  	_ =	strace s5  }
0x99: {  	_ =	strace $0x8FFFFFFF  }
0x9a: {  	s19 =	sld [smem:$0x3FDB];
	_ =	sdelay $0x1  }
0x9b: {  	s6 =	simm.s32 $_scs_section_size  }
0x9c: {  	s7 =	simm.s32 $_size__tile_overlayer_lowered;
	s8 =	simm.s32 $_tile_overlayer_lowered  }
0x9d: {  	s22 =	simm.s32 $0x1BFF;
	s21 =	sshll.u32 s8, $0x1;
	s5 =	sadd.s32 s6, s19  }
0x9e: {  	s9 =	simm.s32 $0x0;
	s20 =	sshll.u32 s7, $0x1;
	s7 =	sadd.s32 s21, s5  }
0x9f: {  	[timem:s9], [sflag:s22] =	dma.local [hbm:s7], s20  }
0xa0: {  	_ =	swait.ge [sflag:s22], s20  }
0xa1: {  	s6 =	ssub.s32 $0x0, s20;
	[sflag:s22] =	ssyncset.done $0x0  }
0xa2: {  	[sflag:s22] =	ssyncadd.s32 s6;
	_ =	sdelay $0x1  }
0xa3: {  	s23 =	simm.s32 $0x1B8B  }
0xa4: {  	_ =	swait.ge [sflag:s23], $0x1  }
0xa5: {  	[sflag:s23] =	ssyncset.done $0x0  }
0xa6: {  	s25 =	simm.s32 $0x1B8E;
	s24 =	sld [smem:$0x3FFE];
	[sflag:s23] =	ssyncadd.s32 $0xFFFFFFFF  }
0xa7: {  	s26 =	simm.s32 $execute0_lowered;
	[smem:$0x3FD2] =	sst s25  }
0xa8: {  	s7 =	sshll.u32 s26, $0x1;
	_ =	strace $0x80000046;
	[dreg:$0x1] =	wrdreg $0xFFFFFFFF  }
0xa9: {  	s28 =	simm.s32 $_size_execute0_lowered;
	s5 =	sadd.s32 s5, s7;
	[dreg:$0x0] =	wrdreg $0x0  }
0xaa: {  	s7 =	sshll.u32 s28, $0x1;
	[dreg:$0x2] =	wrdreg s5  }
0xab: {  	[dreg:$0x3] =	wrdreg s7  }
0xac: {  	[dreg:$0x4] =	wrdreg $0xC0  }
0xad: {  	_ =	task [dreg:s9], $0x5FFFF  }
0xae: {  	[dreg:$0x1] =	wrdreg $0xFFFFFFFF  }
0xaf: {  	[dreg:$0x0] =	wrdreg $0x60  }
0xb0: {  	[dreg:$0x2] =	wrdreg s2  }
0xb1: {  	[dreg:$0x3] =	wrdreg s18  }
0xb2: {  	[dreg:$0x4] =	wrdreg s4  }
0xb3: {  	[dreg:$0x5] =	wrdreg s24  }
0xb4: {  	[dreg:$0x6] =	wrdreg $0xC7800  }
0xb5: {  	[dreg:$0x7] =	wrdreg $0x9  }
0xb6: {  	_ =	task.clear_ibuf [dreg:s9], $0x8FFFF;
	_ =	strace $0x90000046  }
0xb7: {  	s29 =	simm.s32 $0x9;
	_ =	strace $0x80000048  }
0xb8: {  	_ =	swait.ge [sflag:s29], $0x1  }
0xb9: {  	[sflag:s29] =	ssyncadd.s32 $0xFFFFFFFF  }
0xba: {  	_ =	strace $0x90000048  }
0xbb: {  	_ =	sfence  }
0xbc: {  	s30 =	sld [smem:$0x0];
	_ =	sdelay $0x2  }
0xbd: {  	s31 =	sshll.u32 s1, $0xD;
	s1 =	sshrl.u32 s1, $0x2  }
0xbe: {  	s3 =	sand.u32 $0x4000, s31;
	s1 =	sadd.s32 s1, s30  }
0xbf: {  	s0 =	sor.u32 s3, s0;
	s1 =	sshll.u32 s1, $0x11  }
0xc0: {  	s0 =	sor.u32 s1, s0  }
0xc1: {  	s0 =	sadd.s32 $0x8F2B, s0  }
0xc2: {  	[sflag:s0] =	ssyncadd.remote.s32 $0x1  }
0xc3: {  	_ =	sfence.sel $0xFFFF  }
0xc4: {  	[dreg:$0x0] =	wrdreg $0xFFFFFFFF;
	(pc) =	sbr.abs _section_cstart, $3  }
0xc5: {  	[dreg:$0x1] =	wrdreg $0xFFFFFFFF  }
0xc6: {  	_ =	task.clear_ibuf [dreg:s9], $0x2FFFF;
	_ =	strace $0x9FFFFFFF  }
0xc7: {  	(tm) =	ssettm $0x7FFFFFFF  }
tec
execute0_lowered:
.L_overlay_start_1:
0x0: {  	(tag) =	ssettag $0x1  }
0x1: {  	s0 =	rddreg [dreg:$0x0]  }
0x2: {  	s1 =	rddreg [dreg:$0x1]  }
0x3: {  	s5 =	rddreg [dreg:$0x3]  }
0x4: {  	s2 =	srdreg.scid;
	s3 =	rddreg [dreg:$0x4]  }
0x5: {  	s12 =	stileid.u32;
	s4 =	simm.s32 $0x0;
	s28 =	simm.s32 $0x9  }
0x6: {  	s29 =	simm.s32 $0x9F80;
	s30 =	simm.s32 $0x1;
	s13 =	smul.u32 $0x13800, s12  }
0x7: {  	s31 =	simm.s32 $0x50;
	s2 =	sand.u32 $0x1, s2;
	s15 =	smul.u32 $0x4E000, s12  }
0x8: {  	[smem:$0x7FF] =	sst s4;
	s5 =	sadd.s32 $0x600, s5;
	s25 =	smul.u32 $0x27100, s12  }
0x9: {  	s6 =	sshll.u32 s2, $0x4;
	s7 =	ssub.s32 $0x2, s2;
	s22 =	smul.u32 $0x138800, s2  }
0xa: {  	p0 =	seq.s32 s2, $0x1;
	s2 =	smul.u32 $0x271000, s2;
	s6 =	sor.u32 s12, s6  }
0xb: {  	s18 =	sadd.s32 $0x509000, s0;
	p1 =	sne.s32 s12, $0xF;
	s8 =	smul.u32 $0x2710, s6  }
0xc: {  	_ =	strace $0x80000047;
	[dreg:$0xc] =	wrdreg s18;
	s10 =	smul.u32 $0x138800, s6  }
0xd: {  	s9 =	sshrl.u32 s7, $0x1;
	s17 =	sshrl.u32 s13, $0x3;
	s6 =	smul.u32 $0x27100, s6  }
0xe: {  	s12 =	simm.s32 $0x2;
	s7 =	ssub.s32 s7, s9;
	s24 =	sadd.s32 s13, s22  }
0xf: {  	s8 =	sshrl.u32 s8, $0x3;
	s11 =	sshrl.u32 s10, $0x3;
	s6 =	sadd.s32 s0, s6  }
0x10: {  	s10 =	simm.s32 $0x3;
	s1 =	sadd.s32 s1, s8;
	s14 =	sadd.s32 s0, s11  }
0x11: {  	[dreg:$0x7] =	wrdreg s6;
	s8 =	sshrl.u32 s15, $0x2;
	s6 =	sadd.s32 s0, s17  }
0x12: {  	s11 =	sadd.s32 $0x138000, s3;
	[dreg:$0x6] =	wrdreg s1;
	s16 =	sadd.s32 $0x500, s14  }
0x13: {  	s0 =	sadd.s32 s2, s0;
	s9 =	sadd.s32 $0xA00, s14;
	[dreg:$0x8] =	wrdreg s16  }
0x14: {  	s2 =	simm.s32 $0x7;
	s8 =	sadd.s32 s8, s3;
	[dreg:$0x9] =	wrdreg s9  }
0x15: {  	s6 =	sadd.s32 $0x4E2000, s6;
	s19 =	sadd.s32 $0xF00, s14;
	[dreg:$0xa] =	wrdreg s8  }
0x16: {  	s20 =	sadd.s32 $0x1400, s14;
	s21 =	sadd.s32 $0x1900, s14;
	[dreg:$0xb] =	wrdreg s6  }
0x17: {  	s23 =	sadd.s32 $0x1E00, s14;
	s17 =	sadd.s32 $0x26700, s14;
	[dreg:$0xd] =	wrdreg s19  }
0x18: {  	s18 =	sadd.s32 $0x26C00, s14;
	s1 =	sshrl.u32 s24, $0x3;
	[dreg:$0xe] =	wrdreg s20  }
0x19: {  	s0 =	sadd.s32 s25, s0;
	s24 =	simm.s32 $0x4F80;
	[dreg:$0xf] =	wrdreg s21  }
0x1a: {  	s25 =	simm.s32 $0x7780;
	[dreg:$0x10] =	wrdreg s23;
	s6 =	sshrl.u32 s22, $0x3  }
0x1b: {  	s19 =	sadd.s32 s5, s1;
	s21 =	smax.u32 s7, $0x1;
	s22 =	sadd.s32 $0x3200, s0  }
0x1c: {  	s23 =	simm.s32 $0x2780;
	s1 =	simm.s32 $0x5;
	s0 =	simm.s32 $0x6  }
0x1d: {  	s7 =	simm.s32 $0x0;
	s26 =	sadd.s32 s5, s6;
	s5 =	simm.s32 $0x4  }
0x1e: {  	s6 =	simm.s32 $0x8;
	s20 =	sadd.s32 $0x27000, s26;
	s26 =	simm.s32 $0xA  }
.LBB2_1:
0x1f: {  	s8 =	rddreg [dreg:$0x6]  }
0x20: {  	s13 =	rddreg [dreg:$0x7]  }
0x21: {  	[tilespmem:s4], [sflag:$0x9] =	stream.linear.gather [hbm4b:s8+s4], $0x2710, $0x38;
	v63 =	vld [tilespmem:$0x0]  }
0x22: {  	s14 =	rddreg [dreg:$0x8]  }
0x23: {  	[tilespmem:s23], [sflag:$0x1] =	stream.linear.gather [hbm4b:s13+s4], $0x2800, $0x38;
	v63 =	vld [tilespmem:$0x0]  }
.Ltmp0:
0x24: {  	s16 =	stileid.u32;
	(pc) =	sbr.rel @!p0 .LBB2_2-.Ltmp0, $4  }
0x25: {  	s9 =	rddreg [dreg:$0xa];
	s8 =	sshll.u32 s16, $0x6  }
0x26: {  	[tilespmem:s24], [sflag:$0x2] =	stream.linear.gather [hbm4b:s14+s4], $0x2800, $0x38;
	v63 =	vld [tilespmem:$0x0]  }
0x27: {  	s15 =	rddreg [dreg:$0x9];
	s9 =	sshrl.u32 s9, $0x3;
	s8 =	sor.u32 $0x1C0A, s8  }
0x28: {  	[tilespmem:s25], [sflag:$0x3] =	stream.linear.gather [hbm4b:s15+s4], $0x2800, $0x38;
	v63 =	vld [tilespmem:$0x0]  }
.Ltmp1:
0x29: {  	s13 =	rddreg [dreg:$0x2];
	(pc) =	sbr.rel @p1 .LBB2_7-.Ltmp1, $4  }
0x2a: {  	[spmem:s9], [sflag:s8] =	dma.local [hbm:s13], $0x2700  }
0x2b: {  	_ =	swait.ge [sflag:s26], $0x2700  }
0x2c: {  	[sflag:s26] =	ssyncset.done $0x0  }
0x2d: {  	[sflag:s26] =	ssyncadd.s32 $0xFFFFD900  }
.Ltmp2:
0x2e: {  	(pc) =	sbr.rel .LBB2_6-.Ltmp2, $3  }
0x2f: {  	_ =	sdelay $0x1  }
0x30: {  	s13 =	sshrl.u32 s11, $0x3;
	s14 =	rddreg [dreg:$0x2]  }
0x31: {  	[spmem:s13], [sflag:s8] =	dma.local [hbm:s14], $0x100  }
.LBB2_2:
.Ltmp3:
0x32: {  	s13 =	rddreg [dreg:$0xb];
	(pc) =	sbr.rel @p1 .LBB2_7-.Ltmp3, $4  }
0x33: {  	[spmem:s9], [sflag:s8] =	dma.local [hbm:s13], $0x2700  }
0x34: {  	_ =	swait.ge [sflag:s26], $0x2700  }
0x35: {  	[sflag:s26] =	ssyncset.done $0x0  }
0x36: {  	[sflag:s26] =	ssyncadd.s32 $0xFFFFD900  }
0x37: {  	s13 =	sshrl.u32 s11, $0x3;
	s14 =	rddreg [dreg:$0xc]  }
0x38: {  	[spmem:s13], [sflag:s8] =	dma.local [hbm:s14], $0x100  }
.LBB2_6:
0x39: {  	_ =	swait.ge [sflag:s26], $0x100  }
0x3a: {  	[sflag:s26] =	ssyncset.done $0x0  }
0x3b: {  	[sflag:s26] =	ssyncadd.s32 $0xFFFFFF00  }
.LBB2_7:
0x3c: {  	_ =	swait.ge [sflag:s28], $0x2710  }
0x3d: {  	[sflag:s28] =	ssyncset.done $0x0  }
0x3e: {  	[sflag:s28] =	ssyncadd.s32 $0xFFFFD8F0  }
0x3f: {  	[bflag:$0x0] =	sbarrier.arrive $0xFFFF  }
0x40: {  	s13 =	simm.s32 $0x0;
	s14 =	rddreg [dreg:$0xd]  }
0x41: {  	[tilespmem:s29], [sflag:$0x4] =	stream.linear.gather [hbm4b:s14+s13], $0x2800, $0x38;
	v63 =	vld [tilespmem:$0x0]  }
0x42: {  	_ =	swait.ge [sflag:s30], $0x2800  }
0x43: {  	[sflag:s30] =	ssyncset.done $0x0  }
0x44: {  	[sflag:s30] =	ssyncadd.s32 $0xFFFFD800  }
0x45: {  	[spmem:s3] =	stream.indirect.scatter.add.f32 [tilespmem:s23], [sflag:$0x5], $0x80, s13, s31, $0xb8;
	v63 =	vld [tilespmem:$0x0]  }
0x46: {  	_ =	swait.ge [sflag:s1], $0x2800  }
0x47: {  	[sflag:s1] =	ssyncset.done $0x0  }
0x48: {  	s16 =	rddreg [dreg:$0xe];
	[sflag:s1] =	ssyncadd.s32 $0xFFFFD800  }
0x49: {  	[tilespmem:s23], [sflag:$0x1] =	stream.linear.gather [hbm4b:s16+s13], $0x2800, $0x38;
	v63 =	vld [tilespmem:$0x0]  }
0x4a: {  	_ =	swait.ge [sflag:s12], $0x2800  }
0x4b: {  	[sflag:s12] =	ssyncset.done $0x0  }
0x4c: {  	[sflag:s12] =	ssyncadd.s32 $0xFFFFD800  }
0x4d: {  	[spmem:s3] =	stream.indirect.scatter.add.f32 [tilespmem:s24], [sflag:$0x6], $0x80, s31, s31, $0xb8;
	v63 =	vld [tilespmem:$0x0]  }
0x4e: {  	_ =	swait.ge [sflag:s0], $0x2800  }
0x4f: {  	[sflag:s0] =	ssyncset.done $0x0  }
0x50: {  	s15 =	rddreg [dreg:$0xf];
	[sflag:s0] =	ssyncadd.s32 $0xFFFFD800  }
0x51: {  	[tilespmem:s24], [sflag:$0x2] =	stream.linear.gather [hbm4b:s15+s13], $0x2800, $0x38;
	v63 =	vld [tilespmem:$0x0]  }
0x52: {  	_ =	swait.ge [sflag:s10], $0x2800  }
0x53: {  	[sflag:s10] =	ssyncset.done $0x0  }
0x54: {  	s16 =	simm.s32 $0xA0;
	[sflag:s10] =	ssyncadd.s32 $0xFFFFD800  }
0x55: {  	[spmem:s3] =	stream.indirect.scatter.add.f32 [tilespmem:s25], [sflag:$0x7], $0x80, s16, s31, $0xb8;
	v63 =	vld [tilespmem:$0x0]  }
0x56: {  	_ =	swait.ge [sflag:s2], $0x2800  }
0x57: {  	[sflag:s2] =	ssyncset.done $0x0  }
0x58: {  	s15 =	rddreg [dreg:$0x10];
	[sflag:s2] =	ssyncadd.s32 $0xFFFFD800  }
0x59: {  	[tilespmem:s25], [sflag:$0x3] =	stream.linear.gather [hbm4b:s15+s13], $0x2800, $0x38;
	v63 =	vld [tilespmem:$0x0]  }
0x5a: {  	_ =	swait.ge [sflag:s5], $0x2800  }
0x5b: {  	[sflag:s5] =	ssyncset.done $0x0  }
0x5c: {  	s16 =	simm.s32 $0xF0;
	[sflag:s5] =	ssyncadd.s32 $0xFFFFD800  }
0x5d: {  	[spmem:s3] =	stream.indirect.scatter.add.f32 [tilespmem:s29], [sflag:$0x8], $0x80, s16, s31, $0xb8;
	v63 =	vld [tilespmem:$0x0]  }
0x5e: {  	_ =	swait.ge [sflag:s6], $0x2800  }
0x5f: {  	[sflag:s6] =	ssyncset.done $0x0  }
0x60: {  	s14 =	sadd.s32 $0xFFFFF100, s22;
	[sflag:s6] =	ssyncadd.s32 $0xFFFFD800  }
0x61: {  	[tilespmem:s29], [sflag:$0x4] =	stream.linear.gather [hbm4b:s14+s4], $0x2800, $0x38;
	v63 =	vld [tilespmem:$0x0]  }
0x62: {  	_ =	swait.ge [sflag:s30], $0x2800  }
0x63: {  	[sflag:s30] =	ssyncset.done $0x0  }
0x64: {  	s15 =	simm.s32 $0x140;
	[sflag:s30] =	ssyncadd.s32 $0xFFFFD800  }
0x65: {  	[spmem:s3] =	stream.indirect.scatter.add.f32 [tilespmem:s23], [sflag:$0x5], $0x80, s15, s31, $0xb8;
	v63 =	vld [tilespmem:$0x0]  }
0x66: {  	_ =	swait.ge [sflag:s1], $0x2800  }
0x67: {  	[sflag:s1] =	ssyncset.done $0x0  }
0x68: {  	s16 =	sadd.s32 $0xFFFFF600, s22;
	[sflag:s1] =	ssyncadd.s32 $0xFFFFD800  }
0x69: {  	[tilespmem:s23], [sflag:$0x1] =	stream.linear.gather [hbm4b:s16+s4], $0x2800, $0x38;
	v63 =	vld [tilespmem:$0x0]  }
0x6a: {  	_ =	swait.ge [sflag:s12], $0x2800  }
0x6b: {  	[sflag:s12] =	ssyncset.done $0x0  }
0x6c: {  	s14 =	simm.s32 $0x190;
	[sflag:s12] =	ssyncadd.s32 $0xFFFFD800  }
0x6d: {  	[spmem:s3] =	stream.indirect.scatter.add.f32 [tilespmem:s24], [sflag:$0x6], $0x80, s14, s31, $0xb8;
	v63 =	vld [tilespmem:$0x0]  }
0x6e: {  	_ =	swait.ge [sflag:s0], $0x2800  }
0x6f: {  	[sflag:s0] =	ssyncset.done $0x0  }
0x70: {  	s15 =	sadd.s32 $0xFFFFFB00, s22;
	[sflag:s0] =	ssyncadd.s32 $0xFFFFD800  }
0x71: {  	[tilespmem:s24], [sflag:$0x2] =	stream.linear.gather [hbm4b:s15+s4], $0x2800, $0x38;
	v63 =	vld [tilespmem:$0x0]  }
0x72: {  	_ =	swait.ge [sflag:s10], $0x2800  }
0x73: {  	[sflag:s10] =	ssyncset.done $0x0  }
0x74: {  	s16 =	simm.s32 $0x1E0;
	[sflag:s10] =	ssyncadd.s32 $0xFFFFD800  }
0x75: {  	[spmem:s3] =	stream.indirect.scatter.add.f32 [tilespmem:s25], [sflag:$0x7], $0x80, s16, s31, $0xb8;
	v63 =	vld [tilespmem:$0x0]  }
0x76: {  	_ =	swait.ge [sflag:s2], $0x2800  }
0x77: {  	[sflag:s2] =	ssyncset.done $0x0  }
0x78: {  	[sflag:s2] =	ssyncadd.s32 $0xFFFFD800  }
0x79: {  	[tilespmem:s25], [sflag:$0x3] =	stream.linear.gather [hbm4b:s22+s4], $0x2800, $0x38;
	v63 =	vld [tilespmem:$0x0]  }
0x7a: {  	_ =	swait.ge [sflag:s5], $0x2800  }
0x7b: {  	s13 =	simm.s32 $0x500;
	[sflag:s5] =	ssyncset.done $0x0  }
0x7c: {  	s14 =	sadd.s32 $0x1400, s22;
	s15 =	simm.s32 $0x230;
	[sflag:s5] =	ssyncadd.s32 $0xFFFFD800  }
.LBB2_8:
0x7d: {  	[spmem:s3] =	stream.indirect.scatter.add.f32 [tilespmem:s29], [sflag:$0x8], $0x80, s15, s31, $0xb8;
	v63 =	vld [tilespmem:$0x0]  }
0x7e: {  	s15 =	smov.u32 s13  }
0x7f: {  	p2 =	sne.s32 s13, $0x8C00;
	s13 =	sadd.s32 $0x500, s13;
	_ =	swait.ge [sflag:s6], $0x2800  }
0x80: {  	[sflag:s6] =	ssyncset.done $0x0  }
0x81: {  	s16 =	sadd.s32 $0xFFFFF100, s14;
	[sflag:s6] =	ssyncadd.s32 $0xFFFFD800  }
0x82: {  	[tilespmem:s29], [sflag:$0x4] =	stream.linear.gather [hbm4b:s16+s4], $0x2800, $0x38;
	v63 =	vld [tilespmem:$0x0]  }
0x83: {  	_ =	swait.ge [sflag:s30], $0x2800  }
0x84: {  	s15 =	sshra.s32 s15, $0x2;
	[sflag:s30] =	ssyncset.done $0x0  }
0x85: {  	s16 =	sadd.s32 $0x140, s15;
	[sflag:s30] =	ssyncadd.s32 $0xFFFFD800  }
0x86: {  	[spmem:s3] =	stream.indirect.scatter.add.f32 [tilespmem:s23], [sflag:$0x5], $0x80, s16, s31, $0xb8;
	v63 =	vld [tilespmem:$0x0]  }
0x87: {  	_ =	swait.ge [sflag:s1], $0x2800  }
0x88: {  	[sflag:s1] =	ssyncset.done $0x0  }
0x89: {  	s16 =	sadd.s32 $0xFFFFF600, s14;
	[sflag:s1] =	ssyncadd.s32 $0xFFFFD800  }
0x8a: {  	[tilespmem:s23], [sflag:$0x1] =	stream.linear.gather [hbm4b:s16+s4], $0x2800, $0x38;
	v63 =	vld [tilespmem:$0x0]  }
0x8b: {  	_ =	swait.ge [sflag:s12], $0x2800  }
0x8c: {  	[sflag:s12] =	ssyncset.done $0x0  }
0x8d: {  	s16 =	sadd.s32 $0x190, s15;
	[sflag:s12] =	ssyncadd.s32 $0xFFFFD800  }
0x8e: {  	[spmem:s3] =	stream.indirect.scatter.add.f32 [tilespmem:s24], [sflag:$0x6], $0x80, s16, s31, $0xb8;
	v63 =	vld [tilespmem:$0x0]  }
0x8f: {  	_ =	swait.ge [sflag:s0], $0x2800  }
0x90: {  	[sflag:s0] =	ssyncset.done $0x0  }
0x91: {  	s16 =	sadd.s32 $0xFFFFFB00, s14;
	[sflag:s0] =	ssyncadd.s32 $0xFFFFD800  }
0x92: {  	[tilespmem:s24], [sflag:$0x2] =	stream.linear.gather [hbm4b:s16+s4], $0x2800, $0x38;
	v63 =	vld [tilespmem:$0x0]  }
0x93: {  	_ =	swait.ge [sflag:s10], $0x2800  }
0x94: {  	[sflag:s10] =	ssyncset.done $0x0  }
0x95: {  	s16 =	sadd.s32 $0x1E0, s15;
	[sflag:s10] =	ssyncadd.s32 $0xFFFFD800  }
0x96: {  	[spmem:s3] =	stream.indirect.scatter.add.f32 [tilespmem:s25], [sflag:$0x7], $0x80, s16, s31, $0xb8;
	v63 =	vld [tilespmem:$0x0]  }
0x97: {  	_ =	swait.ge [sflag:s2], $0x2800  }
0x98: {  	[sflag:s2] =	ssyncset.done $0x0  }
.Ltmp4:
0x99: {  	[sflag:s2] =	ssyncadd.s32 $0xFFFFD800;
	(pc) =	sbr.rel @p2 .LBB2_8-.Ltmp4, $4  }
0x9a: {  	[tilespmem:s25], [sflag:$0x3] =	stream.linear.gather [hbm4b:s14+s4], $0x2800, $0x38;
	v63 =	vld [tilespmem:$0x0]  }
0x9b: {  	_ =	swait.ge [sflag:s5], $0x2800  }
0x9c: {  	[sflag:s5] =	ssyncset.done $0x0  }
0x9d: {  	s15 =	sadd.s32 $0x230, s15;
	s14 =	sadd.s32 $0x1400, s14;
	[sflag:s5] =	ssyncadd.s32 $0xFFFFD800  }
0x9e: {  	[spmem:s3] =	stream.indirect.scatter.add.f32 [tilespmem:s29], [sflag:$0x8], $0x80, s15, s31, $0xb8;
	v63 =	vld [tilespmem:$0x0]  }
0x9f: {  	_ =	swait.ge [sflag:s6], $0x2800  }
0xa0: {  	[sflag:s6] =	ssyncset.done $0x0  }
0xa1: {  	[sflag:s6] =	ssyncadd.s32 $0xFFFFD800  }
0xa2: {  	[tilespmem:s29], [sflag:$0x4] =	stream.linear.gather [hbm4b:s17+s4], $0x2800, $0x38;
	v63 =	vld [tilespmem:$0x0]  }
0xa3: {  	_ =	swait.ge [sflag:s30], $0x2800  }
0xa4: {  	[sflag:s30] =	ssyncset.done $0x0  }
0xa5: {  	s13 =	simm.s32 $0x2580;
	[sflag:s30] =	ssyncadd.s32 $0xFFFFD800  }
0xa6: {  	[spmem:s3] =	stream.indirect.scatter.add.f32 [tilespmem:s23], [sflag:$0x5], $0x80, s13, s31, $0xb8;
	v63 =	vld [tilespmem:$0x0]  }
0xa7: {  	_ =	swait.ge [sflag:s1], $0x2800  }
0xa8: {  	[sflag:s1] =	ssyncset.done $0x0  }
0xa9: {  	[sflag:s1] =	ssyncadd.s32 $0xFFFFD800  }
0xaa: {  	[tilespmem:s23], [sflag:$0x1] =	stream.linear.gather [hbm4b:s18+s4], $0x2800, $0x38;
	v63 =	vld [tilespmem:$0x0]  }
0xab: {  	_ =	swait.ge [sflag:s12], $0x2800  }
0xac: {  	[sflag:s12] =	ssyncset.done $0x0  }
0xad: {  	s16 =	simm.s32 $0x25D0;
	[sflag:s12] =	ssyncadd.s32 $0xFFFFD800  }
0xae: {  	[spmem:s3] =	stream.indirect.scatter.add.f32 [tilespmem:s24], [sflag:$0x6], $0x80, s16, s31, $0xb8;
	v63 =	vld [tilespmem:$0x0]  }
0xaf: {  	_ =	swait.ge [sflag:s0], $0x2800  }
0xb0: {  	[sflag:s0] =	ssyncset.done $0x0  }
0xb1: {  	[sflag:s0] =	ssyncadd.s32 $0xFFFFD800  }
0xb2: {  	_ =	swait.ge [sflag:s10], $0x2800  }
0xb3: {  	[sflag:s10] =	ssyncset.done $0x0  }
0xb4: {  	s14 =	simm.s32 $0x2620;
	[sflag:s10] =	ssyncadd.s32 $0xFFFFD800  }
0xb5: {  	[spmem:s3] =	stream.indirect.scatter.add.f32 [tilespmem:s25], [sflag:$0x7], $0x80, s14, s31, $0xb8;
	v63 =	vld [tilespmem:$0x0]  }
0xb6: {  	_ =	swait.ge [sflag:s2], $0x2800  }
0xb7: {  	[sflag:s2] =	ssyncset.done $0x0  }
0xb8: {  	[sflag:s2] =	ssyncadd.s32 $0xFFFFD800  }
0xb9: {  	_ =	swait.ge [sflag:s5], $0x2800  }
0xba: {  	[sflag:s5] =	ssyncset.done $0x0  }
0xbb: {  	s15 =	simm.s32 $0x2670;
	[sflag:s5] =	ssyncadd.s32 $0xFFFFD800  }
0xbc: {  	[spmem:s3] =	stream.indirect.scatter.add.f32 [tilespmem:s29], [sflag:$0x8], $0x80, s15, s31, $0xb8;
	v63 =	vld [tilespmem:$0x0]  }
0xbd: {  	_ =	swait.ge [sflag:s6], $0x2800  }
0xbe: {  	[sflag:s6] =	ssyncset.done $0x0  }
0xbf: {  	[sflag:s6] =	ssyncadd.s32 $0xFFFFD800  }
0xc0: {  	_ =	swait.ge [sflag:s30], $0x2800  }
0xc1: {  	[sflag:s30] =	ssyncset.done $0x0  }
0xc2: {  	s16 =	simm.s32 $0x26C0;
	[sflag:s30] =	ssyncadd.s32 $0xFFFFD800  }
0xc3: {  	[spmem:s3] =	stream.indirect.scatter.add.f32 [tilespmem:s23], [sflag:$0x5], $0x80, s16, s31, $0xb8;
	v63 =	vld [tilespmem:$0x0]  }
0xc4: {  	_ =	swait.ge [sflag:s1], $0x2800  }
0xc5: {  	[sflag:s1] =	ssyncset.done $0x0  }
0xc6: {  	[sflag:s1] =	ssyncadd.s32 $0xFFFFD800  }
0xc7: {  	[bflag:$0x0] =	sbarrier.arrive $0xFFFF  }
0xc8: {  	[hbm:s19], [sflag:s8] =	dma.local [spmem:s9], $0x2700  }
0xc9: {  	_ =	swait.ge [sflag:s26], $0x2700  }
0xca: {  	s7 =	sadd.s32 $0x1, s7;
	[sflag:s26] =	ssyncset.done $0x0  }
0xcb: {  	p2 =	sne.s32 s7, s21;
	s9 =	sshrl.u32 @!p1 s11, $0x3;
	[sflag:s26] =	ssyncadd.s32 $0xFFFFD900  }
0xcc: {  	[hbm:s20], [sflag:s8] =	dma.local @!p1 [spmem:s9], $0x100  }
.Ltmp5:
0xcd: {  	_ = 	snop;
	(pc) =	sbr.rel @p2 .LBB2_1-.Ltmp5, $4  }
0xce: {  	s8 =	simm.s32 @!p1 $0xA  }
0xcf: {  	_ =	swait.ge @!p1 [sflag:s8], $0x100  }
0xd0: {  	[sflag:s8] =	ssyncset.done @!p1 $0x0  }
0xd1: {  	[sflag:s8] =	ssyncadd.s32 @!p1 $0xFFFFFF00  }
0xd2: {  	_ =	sfence.sel $0x180000  }
0xd3: {  	[bflag:$0x0] =	sbarrier.arrive $0xFFFF  }
0xd4: {  	_ =	strace $0x90000047  }
0xd5: {  	s0 =	stileid.u32;
	[bflag:$0x2] =	sbarrier.arrive $0xFFFF  }
0xd6: {  	p0 =	sne.s32 s0, $0x0;
	s0 =	rddreg [dreg:$0x5]  }
0xd7: {  	s0 =	sadd.s32 @!p0 $0x100000, s0  }
0xd8: {  	[sflag:s0] =	ssyncadd.tile.s32 @!p0 $0x1;
	_ =	shalt  }
.Lfunc_end2:
_tile_overlayer_lowered:
.L_overlay_start_2:
0xd9: {  	(tag) =	ssettag $0x2  }
0xda: {  	s0 =	rddreg [dreg:$0x0];
	s2 =	stileid.u32  }
0xdb: {  	s1 =	rddreg [dreg:$0x1];
	p0 =	sne.s32 s2, $0x0  }
0xdc: {  	s3 =	rddreg [dreg:$0x2];
	[bflag:$0x3] =	sbarrier.arrive $0xFFFF;
	s2 =	simm.s32 @!p0 $0x1C0A  }
0xdd: {  	[timem:s3], [sflag:s2] =	dma.local @!p0 [hbm:s0], s1  }
0xde: {  	s0 =	simm.s32 @!p0 $0xA  }
0xdf: {  	_ =	swait.ge @!p0 [sflag:s0], s1  }
0xe0: {  	s1 =	ssub.s32 @!p0 $0x0, s1;
	[sflag:s0] =	ssyncset.done @!p0 $0x0  }
0xe1: {  	[sflag:s0] =	ssyncadd.s32 @!p0 s1  }
0xe2: {  	[bflag:$0x3] =	sbarrier.arrive $0xFFFF  }
0xe3: {  	_ =	shalt  }

</sc_bundles>
